<compile_context>
chip_gen: v7x
topology: tpu7x:2x2x1
jax: 0.10.2.dev20260603
libtpu: 0.0.44.dev20260713+nightly
codegen_flags: <defaults>
</compile_context>

<pallas_src>
import functools

import jax
import jax.numpy as jnp
from jax import lax
from jax.experimental import pallas as pl
from jax.experimental.pallas import tpu as pltpu
from jax.experimental.pallas import tpu_sc as plsc

N = 10000
E = 320000
D_IN = 128
D_H = 128
D_OUT = 64

NC = 2
NS = 16
NW = NC * NS
CH = 80
KPT = 250
TOTCH = NS * KPT
KD = TOTCH // NW
N_ACC = 10016
RPT = N_ACC // NS
N_PAD = 10240
N_H = N_PAD
BR = 1024
BR2 = 1000

_mesh = plsc.VectorSubcoreMesh(core_axis_name="c", subcore_axis_name="s")


def _make_msg_kernel(dh):

    @functools.partial(
        pl.kernel,
        out_type=jax.ShapeDtypeStruct((NC, N_ACC, dh), jnp.float32),
        mesh=_mesh,
        scratch_types=[
            pltpu.VMEM((KPT, CH), jnp.int32),
            pltpu.VMEM((KPT, CH), jnp.int32),
            pltpu.VMEM((CH, dh), jnp.float32),
            pltpu.VMEM((CH, dh), jnp.float32),
            pltpu.VMEM_SHARED((N_ACC, dh), jnp.float32),
            pltpu.VMEM_SHARED((N_ACC, dh), jnp.float32),
            pltpu.SemaphoreType.DMA,
            pltpu.SemaphoreType.DMA,
        ],
        compiler_params=pltpu.CompilerParams(use_tc_tiling_on_sc=False),
    )
    def msg(g_hbm, src_hbm, dst_hbm, zero_hbm, out_hbm,
            sidx, didx, rows_a, rows_b, table, acc, sem_a, sem_b):
        c = lax.axis_index("c")
        s = lax.axis_index("s")
        r0 = s * RPT
        pltpu.sync_copy(zero_hbm.at[pl.ds(r0, RPT)], acc.at[pl.ds(r0, RPT)])
        pltpu.sync_copy(g_hbm.at[c, pl.ds(r0, RPT)], table.at[pl.ds(r0, RPT)])
        pltpu.sync_copy(src_hbm.at[s], sidx)
        pltpu.sync_copy(dst_hbm.at[s], didx)
        plsc.subcore_barrier()

        pltpu.async_copy(table.at[sidx.at[0]], rows_a, sem_a)

        def body(jj, carry):
            j0 = 2 * jj
            pltpu.make_async_copy(table.at[sidx.at[j0]], rows_a, sem_a).wait()
            pltpu.async_copy(table.at[sidx.at[j0 + 1]], rows_b, sem_b)
            pltpu.sync_copy(rows_a, acc.at[didx.at[j0]], add=True)
            jn = jnp.minimum(j0 + 2, KPT - 1)
            pltpu.make_async_copy(table.at[sidx.at[j0 + 1]], rows_b, sem_b).wait()
            pltpu.async_copy(table.at[sidx.at[jn]], rows_a, sem_a)
            pltpu.sync_copy(rows_b, acc.at[didx.at[j0 + 1]], add=True)
            return carry

        lax.fori_loop(0, KPT // 2, body, 0)
        pltpu.make_async_copy(table.at[sidx.at[KPT - 1]], rows_a, sem_a).wait()
        plsc.subcore_barrier()
        pltpu.sync_copy(acc.at[pl.ds(r0, RPT)], out_hbm.at[c, pl.ds(r0, RPT)])

    return msg


@functools.partial(
    pl.kernel,
    out_type=jax.ShapeDtypeStruct((NW, N_H), jnp.float32),
    mesh=_mesh,
    scratch_types=[
        pltpu.VMEM((KD, CH), jnp.int32),
        pltpu.VMEM((N_H,), jnp.float32),
    ],
    compiler_params=pltpu.CompilerParams(
        use_tc_tiling_on_sc=False, needs_layout_passes=False),
)
def _deg_kernel(dst_hbm, out_hbm, didx, hist):
    c = lax.axis_index("c")
    s = lax.axis_index("s")
    wid = s * NC + c
    pltpu.sync_copy(dst_hbm.at[wid], didx)

    def zbody(i, carry):
        hist[pl.ds(i * 16, 16)] = jnp.zeros((16,), jnp.float32)
        return carry

    lax.fori_loop(0, N_H // 16, zbody, 0)
    ones = jnp.full((16,), 1.0, jnp.float32)

    def body(j, carry):
        for l in range(CH // 16):
            iv = didx[j, pl.ds(l * 16, 16)]
            plsc.addupdate_scatter(hist, [iv], ones)
        return carry

    lax.fori_loop(0, KD, body, 0)
    pltpu.sync_copy(hist, out_hbm.at[wid])


def _tc1_body(degp_ref, x_ref, w_ref, g_ref, dinv_ref):
    deg = jnp.sum(degp_ref[...], axis=0) + 1.0
    dinv = lax.rsqrt(jnp.maximum(deg, 1.0))
    dinv_ref[...] = dinv[:, None]
    h = jnp.dot(x_ref[...], w_ref[...], preferred_element_type=jnp.float32)
    g = h * dinv[:, None]
    g_ref[0] = g[:, :D_H // 2]
    g_ref[1] = g[:, D_H // 2:]


def _tc2_body(dinv_ref, p_ref, g1_ref, b1_ref, w2_ref, g2_ref):
    dinv = dinv_ref[...]
    ssum = jnp.concatenate([p_ref[0], p_ref[1]], axis=-1)
    ssum = ssum + jnp.concatenate([g1_ref[0], g1_ref[1]], axis=-1)
    h = jnp.maximum(ssum * dinv + b1_ref[0], 0.0)
    h2 = jnp.dot(h, w2_ref[...], preferred_element_type=jnp.float32)
    g2 = h2 * dinv
    g2_ref[0] = g2[:, :D_OUT // 2]
    g2_ref[1] = g2[:, D_OUT // 2:]


def _tc3_body(dinv_ref, p_ref, g2_ref, b2_ref, o_ref):
    dinv = dinv_ref[...]
    ssum = jnp.concatenate([p_ref[0], p_ref[1]], axis=-1)
    ssum = ssum + jnp.concatenate([g2_ref[0], g2_ref[1]], axis=-1)
    z = ssum * dinv + b2_ref[0]
    m = jnp.max(z, axis=1, keepdims=True)
    zz = z - m
    lse = jnp.log(jnp.sum(jnp.exp(zz), axis=1, keepdims=True))
    o_ref[...] = zz - lse


def kernel(x, edge_index, W1, b1, W2, b2):
    src = edge_index[0].reshape(NS, KPT, CH)
    dst = edge_index[1].reshape(NS, KPT, CH)
    dst_d = edge_index[1].reshape(NW, KD, CH)

    xp = jnp.pad(x, ((0, N_PAD - N), (0, 0)))
    zeros64 = jnp.zeros((N_ACC, D_H // 2), jnp.float32)
    zeros32 = jnp.zeros((N_ACC, D_OUT // 2), jnp.float32)

    degp = _deg_kernel(dst_d)

    g1, dinv = pl.pallas_call(
        _tc1_body,
        grid=(N_PAD // BR,),
        in_specs=[
            pl.BlockSpec((NW, BR), lambda i: (0, i)),
            pl.BlockSpec((BR, D_IN), lambda i: (i, 0)),
            pl.BlockSpec((D_IN, D_H), lambda i: (0, 0)),
        ],
        out_specs=[
            pl.BlockSpec((NC, BR, D_H // 2), lambda i: (0, i, 0)),
            pl.BlockSpec((BR, 1), lambda i: (i, 0)),
        ],
        out_shape=[
            jax.ShapeDtypeStruct((NC, N_PAD, D_H // 2), jnp.float32),
            jax.ShapeDtypeStruct((N_PAD, 1), jnp.float32),
        ],
    )(degp, xp, W1)

    p1 = _make_msg_kernel(D_H // 2)(g1, src, dst, zeros64)

    g2, = pl.pallas_call(
        _tc2_body,
        grid=(N // BR2,),
        in_specs=[
            pl.BlockSpec((BR2, 1), lambda i: (i, 0)),
            pl.BlockSpec((NC, BR2, D_H // 2), lambda i: (0, i, 0)),
            pl.BlockSpec((NC, BR2, D_H // 2), lambda i: (0, i, 0)),
            pl.BlockSpec((1, D_H), lambda i: (0, 0)),
            pl.BlockSpec((D_H, D_OUT), lambda i: (0, 0)),
        ],
        out_specs=[
            pl.BlockSpec((NC, BR2, D_OUT // 2), lambda i: (0, i, 0)),
        ],
        out_shape=[
            jax.ShapeDtypeStruct((NC, N, D_OUT // 2), jnp.float32),
        ],
    )(dinv, p1, g1, b1.reshape(1, D_H), W2)

    g2p = jnp.pad(g2, ((0, 0), (0, N_PAD - N), (0, 0)))
    p2 = _make_msg_kernel(D_OUT // 2)(g2p, src, dst, zeros32)

    out = pl.pallas_call(
        _tc3_body,
        grid=(N // BR2,),
        in_specs=[
            pl.BlockSpec((BR2, 1), lambda i: (i, 0)),
            pl.BlockSpec((NC, BR2, D_OUT // 2), lambda i: (0, i, 0)),
            pl.BlockSpec((NC, BR2, D_OUT // 2), lambda i: (0, i, 0)),
            pl.BlockSpec((1, D_OUT), lambda i: (0, 0)),
        ],
        out_specs=pl.BlockSpec((BR2, D_OUT), lambda i: (i, 0)),
        out_shape=jax.ShapeDtypeStruct((N, D_OUT), jnp.float32),
    )(dinv, p2, g2, b2.reshape(1, D_OUT))

    return out

# --- scband reference (transcript-rebuilt; emitter-appended) ---
"""Pipeline reference for scband-gcn-7980049236110 (READ-ONLY COPY).

The authoritative reference and input builder live on the scoring server;
editing this copy changes nothing except your own understanding.
"""

import jax, jax.numpy as jnp
import numpy as np

N = 10000
E = 320000
D_IN = 128
D_H = 128
D_OUT = 64


def setup_inputs(seed: int = 0) -> dict:
    key = jax.random.key(seed)
    k1, k2, k3, k4 = jax.random.split(key, 4)
    x = jax.random.normal(k1, (N, D_IN), dtype=jnp.float32)
    edge_index = jax.random.randint(k2, (2, E), 0, N, dtype=jnp.int32)
    W1 = jax.random.normal(k3, (D_IN, D_H), dtype=jnp.float32) * (1.0 / np.sqrt(D_IN))
    b1 = jnp.zeros((D_H,), dtype=jnp.float32)
    W2 = jax.random.normal(k4, (D_H, D_OUT), dtype=jnp.float32) * (1.0 / np.sqrt(D_H))
    b2 = jnp.zeros((D_OUT,), dtype=jnp.float32)
    return {"x": x, "edge_index": edge_index, "W1": W1, "b1": b1, "W2": W2, "b2": b2}


def _gcn_conv(x, edge_index, W, b):
    # GCNConv: add self-loops, symmetric normalization D^{-1/2}(A+I)D^{-1/2} x W + b
    n = x.shape[0]
    loop = jnp.arange(n, dtype=edge_index.dtype)
    src = jnp.concatenate([edge_index[0], loop])
    dst = jnp.concatenate([edge_index[1], loop])
    deg = jnp.zeros((n,), dtype=x.dtype).at[dst].add(1.0)
    dinv = jax.lax.rsqrt(jnp.maximum(deg, 1.0))
    norm = dinv[src] * dinv[dst]
    h = x @ W
    msg = jnp.take(h, src, axis=0) * norm[:, None]
    out = jax.ops.segment_sum(msg, dst, num_segments=n)
    return out + b


def reference(x, edge_index, W1, b1, W2, b2):
    h = jax.nn.relu(_gcn_conv(x, edge_index, W1, b1))
    # dropout is identity in eval mode
    h = _gcn_conv(h, edge_index, W2, b2)
    return jax.nn.log_softmax(h, axis=1)

if __name__ == "__main__":
    import jax
    _d = setup_inputs()
    print(jax.jit(kernel)(*tuple(_d.values())))

</pallas_src>

<mosaic_0001>
#map = affine_map<(d0, d1) -> (0, 0, 0)>
#map1 = affine_map<(d0, d1) -> (0, 0)>
module attributes {stable_mosaic.version = 14 : i64} {
  func.func @_deg_kernel(%arg0: i32, %arg1: i32, %arg2: memref<32x125x80xi32, #tpu.memory_space<hbm>>, %arg3: memref<32x10240xf32, #tpu.memory_space<hbm>>, %arg4: memref<125x80xi32, #tpu.memory_space<vmem>>, %arg5: memref<10240xf32, #tpu.memory_space<vmem>>) attributes {dimension_semantics = [#tpu.dimension_semantics<core_parallel>, #tpu.dimension_semantics<subcore_parallel>], iteration_bounds = array<i64: 2, 16>, scalar_prefetch = 0 : i64, scratch_operands = 2 : i64, tpu.core_type = #tpu.core_type<sc_vector_subcore>, window_params = [{transform_indices = #map}, {transform_indices = #map1}]} {
    %mul3A = arith.constant 2 : i32
    %mul3A_0 = arith.muli %arg1, %mul3A : i32
    %add3A = arith.addi %mul3A_0, %arg0 : i32
    "tpu.region"() ({
      %run_scoped3A = tpu.sem_alloc : memref<!tpu.dma_semaphore, #tpu.memory_space<semaphore_mem>>
      %dma_start3A = arith.constant 0 : i32
      %dma_start3A_13 = arith.constant 0 : i32
      %dma_start3A_14 = tpu.memref_slice %arg2[%add3A, %dma_start3A, %dma_start3A_13] : memref<32x125x80xi32, #tpu.memory_space<hbm>> -> memref<1x125x80xi32, #tpu.memory_space<hbm>>
      %dma_start3A_15 = tpu.memref_squeeze %dma_start3A_14 : memref<1x125x80xi32, #tpu.memory_space<hbm>> -> memref<125x80xi32, #tpu.memory_space<hbm>>
      %dma_start3A_16 = arith.constant 0 : i32
      %dma_start3A_17 = arith.constant 0 : i32
      %dma_start3A_18 = tpu.memref_slice %arg2[%add3A, %dma_start3A_16, %dma_start3A_17] : memref<32x125x80xi32, #tpu.memory_space<hbm>> -> memref<1x125x80xi32, #tpu.memory_space<hbm>>
      %dma_start3A_19 = tpu.memref_squeeze %dma_start3A_18 : memref<1x125x80xi32, #tpu.memory_space<hbm>> -> memref<125x80xi32, #tpu.memory_space<hbm>>
      tpu.enqueue_dma source(%dma_start3A_19 : memref<125x80xi32, #tpu.memory_space<hbm>>) target(%arg4 : memref<125x80xi32, #tpu.memory_space<vmem>>) target_semaphore(%run_scoped3A : memref<!tpu.dma_semaphore, #tpu.memory_space<semaphore_mem>>)
      %dma_wait3A = arith.constant 0 : i32
      %dma_wait3A_20 = arith.constant 0 : i32
      %dma_wait3A_21 = tpu.memref_slice %arg2[%add3A, %dma_wait3A, %dma_wait3A_20] : memref<32x125x80xi32, #tpu.memory_space<hbm>> -> memref<1x125x80xi32, #tpu.memory_space<hbm>>
      %dma_wait3A_22 = tpu.memref_squeeze %dma_wait3A_21 : memref<1x125x80xi32, #tpu.memory_space<hbm>> -> memref<125x80xi32, #tpu.memory_space<hbm>>
      %dma_wait3A_23 = arith.constant 0 : i32
      %dma_wait3A_24 = arith.constant 0 : i32
      %dma_wait3A_25 = tpu.memref_slice %arg2[%add3A, %dma_wait3A_23, %dma_wait3A_24] : memref<32x125x80xi32, #tpu.memory_space<hbm>> -> memref<1x125x80xi32, #tpu.memory_space<hbm>>
      %dma_wait3A_26 = tpu.memref_squeeze %dma_wait3A_25 : memref<1x125x80xi32, #tpu.memory_space<hbm>> -> memref<125x80xi32, #tpu.memory_space<hbm>>
      tpu.wait_dma2 semaphore(%run_scoped3A : memref<!tpu.dma_semaphore, #tpu.memory_space<semaphore_mem>>) src(%dma_wait3A_26 : memref<125x80xi32, #tpu.memory_space<hbm>>) dst(%arg4 : memref<125x80xi32, #tpu.memory_space<vmem>>)
      tpu.yield
    }) : () -> ()
    %scan3A = arith.constant 0 : i32
    %scan3A_1 = arith.constant 0 : i32
    %scan3A_2 = arith.constant 640 : i32
    %scan3A_3 = arith.addi %scan3A_1, %scan3A_2 : i32
    %scan3A_4 = arith.constant 1 : i32
    scf.for %scan3A_13 = %scan3A_1 to %scan3A_3 step %scan3A_4  : i32 {
      %broadcast_in_dim3A_14 = arith.constant 0.000000e+00 : f32
      %broadcast_in_dim3A_15 = vector.broadcast %broadcast_in_dim3A_14 : f32 to vector<16xf32>
      %mul3A_16 = arith.constant 16 : i32
      %mul3A_17 = arith.muli %scan3A_13, %mul3A_16 : i32
      %swap3A = arith.index_cast %mul3A_17 : i32 to index
      %swap3A_18 = tpu.vector_load %arg5[%swap3A] {strides = array<i32>} : memref<10240xf32, #tpu.memory_space<vmem>>, vector<16xf32>,
      tpu.vector_store %arg5[%swap3A], %broadcast_in_dim3A_15 {strides = array<i32>} : memref<10240xf32, #tpu.memory_space<vmem>>, vector<16xf32>,
    }
    %scan3A_5 = arith.constant 640 : i32
    %broadcast_in_dim3A = arith.constant 1.000000e+00 : f32
    %broadcast_in_dim3A_6 = vector.broadcast %broadcast_in_dim3A : f32 to vector<16xf32>
    %scan3A_7 = arith.constant 0 : i32
    %scan3A_8 = arith.constant 0 : i32
    %scan3A_9 = arith.constant 125 : i32
    %scan3A_10 = arith.addi %scan3A_8, %scan3A_9 : i32
    %scan3A_11 = arith.constant 1 : i32
    scf.for %scan3A_13 = %scan3A_8 to %scan3A_10 step %scan3A_11  : i32 {
      %get3A = arith.index_cast %scan3A_13 : i32 to index
      %get3A_14 = arith.constant 0 : index
      %get3A_15 = tpu.vector_load %arg4[%get3A, %get3A_14] {strides = array<i32>} : memref<125x80xi32, #tpu.memory_space<vmem>>, vector<16xi32>,
      tpu.vector_store_idx %arg5[%get3A_15], %broadcast_in_dim3A_6 {add = true} : memref<10240xf32, #tpu.memory_space<vmem>>[vector<16xi32>], vector<16xf32>,
      %get3A_16 = arith.index_cast %scan3A_13 : i32 to index
      %get3A_17 = arith.constant 16 : index
      %get3A_18 = tpu.vector_load %arg4[%get3A_16, %get3A_17] {strides = array<i32>} : memref<125x80xi32, #tpu.memory_space<vmem>>, vector<16xi32>,
      tpu.vector_store_idx %arg5[%get3A_18], %broadcast_in_dim3A_6 {add = true} : memref<10240xf32, #tpu.memory_space<vmem>>[vector<16xi32>], vector<16xf32>,
      %get3A_19 = arith.index_cast %scan3A_13 : i32 to index
      %get3A_20 = arith.constant 32 : index
      %get3A_21 = tpu.vector_load %arg4[%get3A_19, %get3A_20] {strides = array<i32>} : memref<125x80xi32, #tpu.memory_space<vmem>>, vector<16xi32>,
      tpu.vector_store_idx %arg5[%get3A_21], %broadcast_in_dim3A_6 {add = true} : memref<10240xf32, #tpu.memory_space<vmem>>[vector<16xi32>], vector<16xf32>,
      %get3A_22 = arith.index_cast %scan3A_13 : i32 to index
      %get3A_23 = arith.constant 48 : index
      %get3A_24 = tpu.vector_load %arg4[%get3A_22, %get3A_23] {strides = array<i32>} : memref<125x80xi32, #tpu.memory_space<vmem>>, vector<16xi32>,
      tpu.vector_store_idx %arg5[%get3A_24], %broadcast_in_dim3A_6 {add = true} : memref<10240xf32, #tpu.memory_space<vmem>>[vector<16xi32>], vector<16xf32>,
      %get3A_25 = arith.index_cast %scan3A_13 : i32 to index
      %get3A_26 = arith.constant 64 : index
      %get3A_27 = tpu.vector_load %arg4[%get3A_25, %get3A_26] {strides = array<i32>} : memref<125x80xi32, #tpu.memory_space<vmem>>, vector<16xi32>,
      tpu.vector_store_idx %arg5[%get3A_27], %broadcast_in_dim3A_6 {add = true} : memref<10240xf32, #tpu.memory_space<vmem>>[vector<16xi32>], vector<16xf32>,
    }
    %scan3A_12 = arith.constant 125 : i32
    "tpu.region"() ({
      %run_scoped3A = tpu.sem_alloc : memref<!tpu.dma_semaphore, #tpu.memory_space<semaphore_mem>>
      %dma_start3A = arith.constant 0 : i32
      %dma_start3A_13 = tpu.memref_slice %arg3[%add3A, %dma_start3A] : memref<32x10240xf32, #tpu.memory_space<hbm>> -> memref<1x10240xf32, #tpu.memory_space<hbm>>
      %dma_start3A_14 = tpu.memref_squeeze %dma_start3A_13 : memref<1x10240xf32, #tpu.memory_space<hbm>> -> memref<10240xf32, #tpu.memory_space<hbm>>
      %dma_start3A_15 = arith.constant 0 : i32
      %dma_start3A_16 = tpu.memref_slice %arg3[%add3A, %dma_start3A_15] : memref<32x10240xf32, #tpu.memory_space<hbm>> -> memref<1x10240xf32, #tpu.memory_space<hbm>>
      %dma_start3A_17 = tpu.memref_squeeze %dma_start3A_16 : memref<1x10240xf32, #tpu.memory_space<hbm>> -> memref<10240xf32, #tpu.memory_space<hbm>>
      tpu.enqueue_dma source(%arg5 : memref<10240xf32, #tpu.memory_space<vmem>>) target(%dma_start3A_17 : memref<10240xf32, #tpu.memory_space<hbm>>) target_semaphore(%run_scoped3A : memref<!tpu.dma_semaphore, #tpu.memory_space<semaphore_mem>>)
      %dma_wait3A = arith.constant 0 : i32
      %dma_wait3A_18 = tpu.memref_slice %arg3[%add3A, %dma_wait3A] : memref<32x10240xf32, #tpu.memory_space<hbm>> -> memref<1x10240xf32, #tpu.memory_space<hbm>>
      %dma_wait3A_19 = tpu.memref_squeeze %dma_wait3A_18 : memref<1x10240xf32, #tpu.memory_space<hbm>> -> memref<10240xf32, #tpu.memory_space<hbm>>
      %dma_wait3A_20 = arith.constant 0 : i32
      %dma_wait3A_21 = tpu.memref_slice %arg3[%add3A, %dma_wait3A_20] : memref<32x10240xf32, #tpu.memory_space<hbm>> -> memref<1x10240xf32, #tpu.memory_space<hbm>>
      %dma_wait3A_22 = tpu.memref_squeeze %dma_wait3A_21 : memref<1x10240xf32, #tpu.memory_space<hbm>> -> memref<10240xf32, #tpu.memory_space<hbm>>
      tpu.wait_dma2 semaphore(%run_scoped3A : memref<!tpu.dma_semaphore, #tpu.memory_space<semaphore_mem>>) src(%arg5 : memref<10240xf32, #tpu.memory_space<vmem>>) dst(%dma_wait3A_22 : memref<10240xf32, #tpu.memory_space<hbm>>)
      tpu.yield
    }) : () -> ()
    return
  }
}

#map = affine_map<(d0, d1) -> (0, 0, 0)>
#map1 = affine_map<(d0, d1) -> (0, 0)>
module attributes {stable_mosaic.version = 14 : i64} {
  func.func @msg(%arg0: i32, %arg1: i32, %arg2: memref<2x10240x32xf32, #tpu.memory_space<hbm>>, %arg3: memref<16x250x80xi32, #tpu.memory_space<hbm>>, %arg4: memref<16x250x80xi32, #tpu.memory_space<hbm>>, %arg5: memref<10016x32xf32, #tpu.memory_space<hbm>>, %arg6: memref<2x10016x32xf32, #tpu.memory_space<hbm>>, %arg7: memref<250x80xi32, #tpu.memory_space<vmem>>, %arg8: memref<250x80xi32, #tpu.memory_space<vmem>>, %arg9: memref<80x32xf32, #tpu.memory_space<vmem>>, %arg10: memref<80x32xf32, #tpu.memory_space<vmem>>, %arg11: memref<10016x32xf32, #tpu.memory_space<vmem_shared>>, %arg12: memref<10016x32xf32, #tpu.memory_space<vmem_shared>>, %arg13: memref<!tpu.dma_semaphore, #tpu.memory_space<semaphore_mem>>, %arg14: memref<!tpu.dma_semaphore, #tpu.memory_space<semaphore_mem>>) attributes {dimension_semantics = [#tpu.dimension_semantics<core_parallel>, #tpu.dimension_semantics<subcore_parallel>], iteration_bounds = array<i64: 2, 16>, scalar_prefetch = 0 : i64, scratch_operands = 8 : i64, tpu.core_type = #tpu.core_type<sc_vector_subcore>, window_params = [{transform_indices = #map}, {transform_indices = #map}, {transform_indices = #map}, {transform_indices = #map1}, {transform_indices = #map}]} {
    %mul3A = arith.constant 626 : i32
    %mul3A_0 = arith.muli %arg1, %mul3A : i32
    "tpu.region"() ({
      %run_scoped3A = tpu.sem_alloc : memref<!tpu.dma_semaphore, #tpu.memory_space<semaphore_mem>>
      %dma_start3A_19 = arith.constant 0 : i32
      %dma_start3A_20 = tpu.memref_slice %arg12[%mul3A_0, %dma_start3A_19] : memref<10016x32xf32, #tpu.memory_space<vmem_shared>> -> memref<626x32xf32, #tpu.memory_space<vmem_shared>>
      %dma_start3A_21 = arith.constant 0 : i32
      %dma_start3A_22 = tpu.memref_slice %arg5[%mul3A_0, %dma_start3A_21] : memref<10016x32xf32, #tpu.memory_space<hbm>> -> memref<626x32xf32, #tpu.memory_space<hbm>>
      tpu.enqueue_dma source(%dma_start3A_22 : memref<626x32xf32, #tpu.memory_space<hbm>>) target(%dma_start3A_20 : memref<626x32xf32, #tpu.memory_space<vmem_shared>>) target_semaphore(%run_scoped3A : memref<!tpu.dma_semaphore, #tpu.memory_space<semaphore_mem>>)
      %dma_wait3A_23 = arith.constant 0 : i32
      %dma_wait3A_24 = tpu.memref_slice %arg12[%mul3A_0, %dma_wait3A_23] : memref<10016x32xf32, #tpu.memory_space<vmem_shared>> -> memref<626x32xf32, #tpu.memory_space<vmem_shared>>
      %dma_wait3A_25 = arith.constant 0 : i32
      %dma_wait3A_26 = tpu.memref_slice %arg5[%mul3A_0, %dma_wait3A_25] : memref<10016x32xf32, #tpu.memory_space<hbm>> -> memref<626x32xf32, #tpu.memory_space<hbm>>
      tpu.wait_dma2 semaphore(%run_scoped3A : memref<!tpu.dma_semaphore, #tpu.memory_space<semaphore_mem>>) src(%dma_wait3A_26 : memref<626x32xf32, #tpu.memory_space<hbm>>) dst(%dma_wait3A_24 : memref<626x32xf32, #tpu.memory_space<vmem_shared>>)
      tpu.yield
    }) : () -> ()
    "tpu.region"() ({
      %run_scoped3A = tpu.sem_alloc : memref<!tpu.dma_semaphore, #tpu.memory_space<semaphore_mem>>
      %dma_start3A_19 = arith.constant 0 : i32
      %dma_start3A_20 = tpu.memref_slice %arg11[%mul3A_0, %dma_start3A_19] : memref<10016x32xf32, #tpu.memory_space<vmem_shared>> -> memref<626x32xf32, #tpu.memory_space<vmem_shared>>
      %dma_start3A_21 = arith.constant 0 : i32
      %dma_start3A_22 = tpu.memref_slice %arg2[%arg0, %mul3A_0, %dma_start3A_21] : memref<2x10240x32xf32, #tpu.memory_space<hbm>> -> memref<1x626x32xf32, #tpu.memory_space<hbm>>
      %dma_start3A_23 = tpu.memref_squeeze %dma_start3A_22 : memref<1x626x32xf32, #tpu.memory_space<hbm>> -> memref<626x32xf32, #tpu.memory_space<hbm>>
      tpu.enqueue_dma source(%dma_start3A_23 : memref<626x32xf32, #tpu.memory_space<hbm>>) target(%dma_start3A_20 : memref<626x32xf32, #tpu.memory_space<vmem_shared>>) target_semaphore(%run_scoped3A : memref<!tpu.dma_semaphore, #tpu.memory_space<semaphore_mem>>)
      %dma_wait3A_24 = arith.constant 0 : i32
      %dma_wait3A_25 = tpu.memref_slice %arg11[%mul3A_0, %dma_wait3A_24] : memref<10016x32xf32, #tpu.memory_space<vmem_shared>> -> memref<626x32xf32, #tpu.memory_space<vmem_shared>>
      %dma_wait3A_26 = arith.constant 0 : i32
      %dma_wait3A_27 = tpu.memref_slice %arg2[%arg0, %mul3A_0, %dma_wait3A_26] : memref<2x10240x32xf32, #tpu.memory_space<hbm>> -> memref<1x626x32xf32, #tpu.memory_space<hbm>>
      %dma_wait3A_28 = tpu.memref_squeeze %dma_wait3A_27 : memref<1x626x32xf32, #tpu.memory_space<hbm>> -> memref<626x32xf32, #tpu.memory_space<hbm>>
      tpu.wait_dma2 semaphore(%run_scoped3A : memref<!tpu.dma_semaphore, #tpu.memory_space<semaphore_mem>>) src(%dma_wait3A_28 : memref<626x32xf32, #tpu.memory_space<hbm>>) dst(%dma_wait3A_25 : memref<626x32xf32, #tpu.memory_space<vmem_shared>>)
      tpu.yield
    }) : () -> ()
    "tpu.region"() ({
      %run_scoped3A = tpu.sem_alloc : memref<!tpu.dma_semaphore, #tpu.memory_space<semaphore_mem>>
      %dma_start3A_19 = arith.constant 0 : i32
      %dma_start3A_20 = arith.constant 0 : i32
      %dma_start3A_21 = tpu.memref_slice %arg3[%arg1, %dma_start3A_19, %dma_start3A_20] : memref<16x250x80xi32, #tpu.memory_space<hbm>> -> memref<1x250x80xi32, #tpu.memory_space<hbm>>
      %dma_start3A_22 = tpu.memref_squeeze %dma_start3A_21 : memref<1x250x80xi32, #tpu.memory_space<hbm>> -> memref<250x80xi32, #tpu.memory_space<hbm>>
      %dma_start3A_23 = arith.constant 0 : i32
      %dma_start3A_24 = arith.constant 0 : i32
      %dma_start3A_25 = tpu.memref_slice %arg3[%arg1, %dma_start3A_23, %dma_start3A_24] : memref<16x250x80xi32, #tpu.memory_space<hbm>> -> memref<1x250x80xi32, #tpu.memory_space<hbm>>
      %dma_start3A_26 = tpu.memref_squeeze %dma_start3A_25 : memref<1x250x80xi32, #tpu.memory_space<hbm>> -> memref<250x80xi32, #tpu.memory_space<hbm>>
      tpu.enqueue_dma source(%dma_start3A_26 : memref<250x80xi32, #tpu.memory_space<hbm>>) target(%arg7 : memref<250x80xi32, #tpu.memory_space<vmem>>) target_semaphore(%run_scoped3A : memref<!tpu.dma_semaphore, #tpu.memory_space<semaphore_mem>>)
      %dma_wait3A_27 = arith.constant 0 : i32
      %dma_wait3A_28 = arith.constant 0 : i32
      %dma_wait3A_29 = tpu.memref_slice %arg3[%arg1, %dma_wait3A_27, %dma_wait3A_28] : memref<16x250x80xi32, #tpu.memory_space<hbm>> -> memref<1x250x80xi32, #tpu.memory_space<hbm>>
      %dma_wait3A_30 = tpu.memref_squeeze %dma_wait3A_29 : memref<1x250x80xi32, #tpu.memory_space<hbm>> -> memref<250x80xi32, #tpu.memory_space<hbm>>
      %dma_wait3A_31 = arith.constant 0 : i32
      %dma_wait3A_32 = arith.constant 0 : i32
      %dma_wait3A_33 = tpu.memref_slice %arg3[%arg1, %dma_wait3A_31, %dma_wait3A_32] : memref<16x250x80xi32, #tpu.memory_space<hbm>> -> memref<1x250x80xi32, #tpu.memory_space<hbm>>
      %dma_wait3A_34 = tpu.memref_squeeze %dma_wait3A_33 : memref<1x250x80xi32, #tpu.memory_space<hbm>> -> memref<250x80xi32, #tpu.memory_space<hbm>>
      tpu.wait_dma2 semaphore(%run_scoped3A : memref<!tpu.dma_semaphore, #tpu.memory_space<semaphore_mem>>) src(%dma_wait3A_34 : memref<250x80xi32, #tpu.memory_space<hbm>>) dst(%arg7 : memref<250x80xi32, #tpu.memory_space<vmem>>)
      tpu.yield
    }) : () -> ()
    "tpu.region"() ({
      %run_scoped3A = tpu.sem_alloc : memref<!tpu.dma_semaphore, #tpu.memory_space<semaphore_mem>>
      %dma_start3A_19 = arith.constant 0 : i32
      %dma_start3A_20 = arith.constant 0 : i32
      %dma_start3A_21 = tpu.memref_slice %arg4[%arg1, %dma_start3A_19, %dma_start3A_20] : memref<16x250x80xi32, #tpu.memory_space<hbm>> -> memref<1x250x80xi32, #tpu.memory_space<hbm>>
      %dma_start3A_22 = tpu.memref_squeeze %dma_start3A_21 : memref<1x250x80xi32, #tpu.memory_space<hbm>> -> memref<250x80xi32, #tpu.memory_space<hbm>>
      %dma_start3A_23 = arith.constant 0 : i32
      %dma_start3A_24 = arith.constant 0 : i32
      %dma_start3A_25 = tpu.memref_slice %arg4[%arg1, %dma_start3A_23, %dma_start3A_24] : memref<16x250x80xi32, #tpu.memory_space<hbm>> -> memref<1x250x80xi32, #tpu.memory_space<hbm>>
      %dma_start3A_26 = tpu.memref_squeeze %dma_start3A_25 : memref<1x250x80xi32, #tpu.memory_space<hbm>> -> memref<250x80xi32, #tpu.memory_space<hbm>>
      tpu.enqueue_dma source(%dma_start3A_26 : memref<250x80xi32, #tpu.memory_space<hbm>>) target(%arg8 : memref<250x80xi32, #tpu.memory_space<vmem>>) target_semaphore(%run_scoped3A : memref<!tpu.dma_semaphore, #tpu.memory_space<semaphore_mem>>)
      %dma_wait3A_27 = arith.constant 0 : i32
      %dma_wait3A_28 = arith.constant 0 : i32
      %dma_wait3A_29 = tpu.memref_slice %arg4[%arg1, %dma_wait3A_27, %dma_wait3A_28] : memref<16x250x80xi32, #tpu.memory_space<hbm>> -> memref<1x250x80xi32, #tpu.memory_space<hbm>>
      %dma_wait3A_30 = tpu.memref_squeeze %dma_wait3A_29 : memref<1x250x80xi32, #tpu.memory_space<hbm>> -> memref<250x80xi32, #tpu.memory_space<hbm>>
      %dma_wait3A_31 = arith.constant 0 : i32
      %dma_wait3A_32 = arith.constant 0 : i32
      %dma_wait3A_33 = tpu.memref_slice %arg4[%arg1, %dma_wait3A_31, %dma_wait3A_32] : memref<16x250x80xi32, #tpu.memory_space<hbm>> -> memref<1x250x80xi32, #tpu.memory_space<hbm>>
      %dma_wait3A_34 = tpu.memref_squeeze %dma_wait3A_33 : memref<1x250x80xi32, #tpu.memory_space<hbm>> -> memref<250x80xi32, #tpu.memory_space<hbm>>
      tpu.wait_dma2 semaphore(%run_scoped3A : memref<!tpu.dma_semaphore, #tpu.memory_space<semaphore_mem>>) src(%dma_wait3A_34 : memref<250x80xi32, #tpu.memory_space<hbm>>) dst(%arg8 : memref<250x80xi32, #tpu.memory_space<vmem>>)
      tpu.yield
    }) : () -> ()
    %barrier3A = arith.constant 0 : index
    tpu.barrier barrier_id(%barrier3A)
    %dma_start3A = arith.constant 0 : i32
    %dma_start3A_1 = arith.constant 0 : i32
    %dma_start3A_2 = tpu.memref_slice %arg7[%dma_start3A, %dma_start3A_1] : memref<250x80xi32, #tpu.memory_space<vmem>> -> memref<1x80xi32, #tpu.memory_space<vmem>>
    %dma_start3A_3 = tpu.memref_squeeze %dma_start3A_2 : memref<1x80xi32, #tpu.memory_space<vmem>> -> memref<80xi32, #tpu.memory_space<vmem>>
    %dma_start3A_4 = arith.constant 0 : i32
    %dma_start3A_5 = arith.constant 0 : i32
    %dma_start3A_6 = tpu.memref_slice %arg11[%dma_start3A_4, %dma_start3A_5] : memref<10016x32xf32, #tpu.memory_space<vmem_shared>> -> memref<10016x32xf32, #tpu.memory_space<vmem_shared>>
    tpu.enqueue_indirect_dma source(%dma_start3A_6 : memref<10016x32xf32, #tpu.memory_space<vmem_shared>>) target(%arg9 : memref<80x32xf32, #tpu.memory_space<vmem>>) offsets(%dma_start3A_3 : memref<80xi32, #tpu.memory_space<vmem>>) semaphore(%arg13 : memref<!tpu.dma_semaphore, #tpu.memory_space<semaphore_mem>>)
    %scan3A = arith.constant 0 : i32
    %scan3A_7 = arith.constant 0 : i32
    %scan3A_8 = arith.constant 125 : i32
    %scan3A_9 = arith.addi %scan3A_7, %scan3A_8 : i32
    %scan3A_10 = arith.constant 1 : i32
    scf.for %scan3A_19 = %scan3A_7 to %scan3A_9 step %scan3A_10  : i32 {
      %mul3A_20 = arith.constant 2 : i32
      %mul3A_21 = arith.muli %mul3A_20, %scan3A_19 : i32
      %dma_wait3A_22 = arith.constant 0 : i32
      %dma_wait3A_23 = tpu.memref_slice %arg7[%mul3A_21, %dma_wait3A_22] : memref<250x80xi32, #tpu.memory_space<vmem>> -> memref<1x80xi32, #tpu.memory_space<vmem>>
      %dma_wait3A_24 = tpu.memref_squeeze %dma_wait3A_23 : memref<1x80xi32, #tpu.memory_space<vmem>> -> memref<80xi32, #tpu.memory_space<vmem>>
      %dma_wait3A_25 = arith.constant 0 : i32
      %dma_wait3A_26 = arith.constant 0 : i32
      %dma_wait3A_27 = tpu.memref_slice %arg11[%dma_wait3A_25, %dma_wait3A_26] : memref<10016x32xf32, #tpu.memory_space<vmem_shared>> -> memref<10016x32xf32, #tpu.memory_space<vmem_shared>>
      tpu.wait_indirect_dma semaphore(%arg13 : memref<!tpu.dma_semaphore, #tpu.memory_space<semaphore_mem>>) src(%dma_wait3A_27 : memref<10016x32xf32, #tpu.memory_space<vmem_shared>>) dst(%arg9 : memref<80x32xf32, #tpu.memory_space<vmem>>)
      %add3A = arith.constant 1 : i32
      %add3A_28 = arith.addi %mul3A_21, %add3A : i32
      %dma_start3A_29 = arith.constant 0 : i32
      %dma_start3A_30 = tpu.memref_slice %arg7[%add3A_28, %dma_start3A_29] : memref<250x80xi32, #tpu.memory_space<vmem>> -> memref<1x80xi32, #tpu.memory_space<vmem>>
      %dma_start3A_31 = tpu.memref_squeeze %dma_start3A_30 : memref<1x80xi32, #tpu.memory_space<vmem>> -> memref<80xi32, #tpu.memory_space<vmem>>
      %dma_start3A_32 = arith.constant 0 : i32
      %dma_start3A_33 = arith.constant 0 : i32
      %dma_start3A_34 = tpu.memref_slice %arg11[%dma_start3A_32, %dma_start3A_33] : memref<10016x32xf32, #tpu.memory_space<vmem_shared>> -> memref<10016x32xf32, #tpu.memory_space<vmem_shared>>
      tpu.enqueue_indirect_dma source(%dma_start3A_34 : memref<10016x32xf32, #tpu.memory_space<vmem_shared>>) target(%arg10 : memref<80x32xf32, #tpu.memory_space<vmem>>) offsets(%dma_start3A_31 : memref<80xi32, #tpu.memory_space<vmem>>) semaphore(%arg14 : memref<!tpu.dma_semaphore, #tpu.memory_space<semaphore_mem>>)
      "tpu.region"() ({
        %run_scoped3A = tpu.sem_alloc : memref<!tpu.dma_semaphore, #tpu.memory_space<semaphore_mem>>
        %dma_start3A_54 = arith.constant 0 : i32
        %dma_start3A_55 = tpu.memref_slice %arg8[%mul3A_21, %dma_start3A_54] : memref<250x80xi32, #tpu.memory_space<vmem>> -> memref<1x80xi32, #tpu.memory_space<vmem>>
        %dma_start3A_56 = tpu.memref_squeeze %dma_start3A_55 : memref<1x80xi32, #tpu.memory_space<vmem>> -> memref<80xi32, #tpu.memory_space<vmem>>
        %dma_start3A_57 = arith.constant 0 : i32
        %dma_start3A_58 = arith.constant 0 : i32
        %dma_start3A_59 = tpu.memref_slice %arg12[%dma_start3A_57, %dma_start3A_58] : memref<10016x32xf32, #tpu.memory_space<vmem_shared>> -> memref<10016x32xf32, #tpu.memory_space<vmem_shared>>
        tpu.enqueue_indirect_dma source(%arg9 : memref<80x32xf32, #tpu.memory_space<vmem>>) target(%dma_start3A_59 : memref<10016x32xf32, #tpu.memory_space<vmem_shared>>) offsets(%dma_start3A_56 : memref<80xi32, #tpu.memory_space<vmem>>) semaphore(%run_scoped3A : memref<!tpu.dma_semaphore, #tpu.memory_space<semaphore_mem>>) {add = true}
        %dma_wait3A_60 = arith.constant 0 : i32
        %dma_wait3A_61 = tpu.memref_slice %arg8[%mul3A_21, %dma_wait3A_60] : memref<250x80xi32, #tpu.memory_space<vmem>> -> memref<1x80xi32, #tpu.memory_space<vmem>>
        %dma_wait3A_62 = tpu.memref_squeeze %dma_wait3A_61 : memref<1x80xi32, #tpu.memory_space<vmem>> -> memref<80xi32, #tpu.memory_space<vmem>>
        %dma_wait3A_63 = arith.constant 0 : i32
        %dma_wait3A_64 = arith.constant 0 : i32
        %dma_wait3A_65 = tpu.memref_slice %arg12[%dma_wait3A_63, %dma_wait3A_64] : memref<10016x32xf32, #tpu.memory_space<vmem_shared>> -> memref<10016x32xf32, #tpu.memory_space<vmem_shared>>
        tpu.wait_indirect_dma semaphore(%run_scoped3A : memref<!tpu.dma_semaphore, #tpu.memory_space<semaphore_mem>>) src(%arg9 : memref<80x32xf32, #tpu.memory_space<vmem>>) dst(%dma_wait3A_65 : memref<10016x32xf32, #tpu.memory_space<vmem_shared>>)
        tpu.yield
      }) : () -> ()
      %add3A_35 = arith.constant 2 : i32
      %add3A_36 = arith.addi %mul3A_21, %add3A_35 : i32
      %min3A = arith.constant 249 : i32
      %min3A_37 = arith.minsi %add3A_36, %min3A : i32
      %add3A_38 = arith.constant 1 : i32
      %add3A_39 = arith.addi %mul3A_21, %add3A_38 : i32
      %dma_wait3A_40 = arith.constant 0 : i32
      %dma_wait3A_41 = tpu.memref_slice %arg7[%add3A_39, %dma_wait3A_40] : memref<250x80xi32, #tpu.memory_space<vmem>> -> memref<1x80xi32, #tpu.memory_space<vmem>>
      %dma_wait3A_42 = tpu.memref_squeeze %dma_wait3A_41 : memref<1x80xi32, #tpu.memory_space<vmem>> -> memref<80xi32, #tpu.memory_space<vmem>>
      %dma_wait3A_43 = arith.constant 0 : i32
      %dma_wait3A_44 = arith.constant 0 : i32
      %dma_wait3A_45 = tpu.memref_slice %arg11[%dma_wait3A_43, %dma_wait3A_44] : memref<10016x32xf32, #tpu.memory_space<vmem_shared>> -> memref<10016x32xf32, #tpu.memory_space<vmem_shared>>
      tpu.wait_indirect_dma semaphore(%arg14 : memref<!tpu.dma_semaphore, #tpu.memory_space<semaphore_mem>>) src(%dma_wait3A_45 : memref<10016x32xf32, #tpu.memory_space<vmem_shared>>) dst(%arg10 : memref<80x32xf32, #tpu.memory_space<vmem>>)
      %dma_start3A_46 = arith.constant 0 : i32
      %dma_start3A_47 = tpu.memref_slice %arg7[%min3A_37, %dma_start3A_46] : memref<250x80xi32, #tpu.memory_space<vmem>> -> memref<1x80xi32, #tpu.memory_space<vmem>>
      %dma_start3A_48 = tpu.memref_squeeze %dma_start3A_47 : memref<1x80xi32, #tpu.memory_space<vmem>> -> memref<80xi32, #tpu.memory_space<vmem>>
      %dma_start3A_49 = arith.constant 0 : i32
      %dma_start3A_50 = arith.constant 0 : i32
      %dma_start3A_51 = tpu.memref_slice %arg11[%dma_start3A_49, %dma_start3A_50] : memref<10016x32xf32, #tpu.memory_space<vmem_shared>> -> memref<10016x32xf32, #tpu.memory_space<vmem_shared>>
      tpu.enqueue_indirect_dma source(%dma_start3A_51 : memref<10016x32xf32, #tpu.memory_space<vmem_shared>>) target(%arg9 : memref<80x32xf32, #tpu.memory_space<vmem>>) offsets(%dma_start3A_48 : memref<80xi32, #tpu.memory_space<vmem>>) semaphore(%arg13 : memref<!tpu.dma_semaphore, #tpu.memory_space<semaphore_mem>>)
      %add3A_52 = arith.constant 1 : i32
      %add3A_53 = arith.addi %mul3A_21, %add3A_52 : i32
      "tpu.region"() ({
        %run_scoped3A = tpu.sem_alloc : memref<!tpu.dma_semaphore, #tpu.memory_space<semaphore_mem>>
        %dma_start3A_54 = arith.constant 0 : i32
        %dma_start3A_55 = tpu.memref_slice %arg8[%add3A_53, %dma_start3A_54] : memref<250x80xi32, #tpu.memory_space<vmem>> -> memref<1x80xi32, #tpu.memory_space<vmem>>
        %dma_start3A_56 = tpu.memref_squeeze %dma_start3A_55 : memref<1x80xi32, #tpu.memory_space<vmem>> -> memref<80xi32, #tpu.memory_space<vmem>>
        %dma_start3A_57 = arith.constant 0 : i32
        %dma_start3A_58 = arith.constant 0 : i32
        %dma_start3A_59 = tpu.memref_slice %arg12[%dma_start3A_57, %dma_start3A_58] : memref<10016x32xf32, #tpu.memory_space<vmem_shared>> -> memref<10016x32xf32, #tpu.memory_space<vmem_shared>>
        tpu.enqueue_indirect_dma source(%arg10 : memref<80x32xf32, #tpu.memory_space<vmem>>) target(%dma_start3A_59 : memref<10016x32xf32, #tpu.memory_space<vmem_shared>>) offsets(%dma_start3A_56 : memref<80xi32, #tpu.memory_space<vmem>>) semaphore(%run_scoped3A : memref<!tpu.dma_semaphore, #tpu.memory_space<semaphore_mem>>) {add = true}
        %dma_wait3A_60 = arith.constant 0 : i32
        %dma_wait3A_61 = tpu.memref_slice %arg8[%add3A_53, %dma_wait3A_60] : memref<250x80xi32, #tpu.memory_space<vmem>> -> memref<1x80xi32, #tpu.memory_space<vmem>>
        %dma_wait3A_62 = tpu.memref_squeeze %dma_wait3A_61 : memref<1x80xi32, #tpu.memory_space<vmem>> -> memref<80xi32, #tpu.memory_space<vmem>>
        %dma_wait3A_63 = arith.constant 0 : i32
        %dma_wait3A_64 = arith.constant 0 : i32
        %dma_wait3A_65 = tpu.memref_slice %arg12[%dma_wait3A_63, %dma_wait3A_64] : memref<10016x32xf32, #tpu.memory_space<vmem_shared>> -> memref<10016x32xf32, #tpu.memory_space<vmem_shared>>
        tpu.wait_indirect_dma semaphore(%run_scoped3A : memref<!tpu.dma_semaphore, #tpu.memory_space<semaphore_mem>>) src(%arg10 : memref<80x32xf32, #tpu.memory_space<vmem>>) dst(%dma_wait3A_65 : memref<10016x32xf32, #tpu.memory_space<vmem_shared>>)
        tpu.yield
      }) : () -> ()
    }
    %scan3A_11 = arith.constant 125 : i32
    %dma_wait3A = arith.constant 249 : i32
    %dma_wait3A_12 = arith.constant 0 : i32
    %dma_wait3A_13 = tpu.memref_slice %arg7[%dma_wait3A, %dma_wait3A_12] : memref<250x80xi32, #tpu.memory_space<vmem>> -> memref<1x80xi32, #tpu.memory_space<vmem>>
    %dma_wait3A_14 = tpu.memref_squeeze %dma_wait3A_13 : memref<1x80xi32, #tpu.memory_space<vmem>> -> memref<80xi32, #tpu.memory_space<vmem>>
    %dma_wait3A_15 = arith.constant 0 : i32
    %dma_wait3A_16 = arith.constant 0 : i32
    %dma_wait3A_17 = tpu.memref_slice %arg11[%dma_wait3A_15, %dma_wait3A_16] : memref<10016x32xf32, #tpu.memory_space<vmem_shared>> -> memref<10016x32xf32, #tpu.memory_space<vmem_shared>>
    tpu.wait_indirect_dma semaphore(%arg13 : memref<!tpu.dma_semaphore, #tpu.memory_space<semaphore_mem>>) src(%dma_wait3A_17 : memref<10016x32xf32, #tpu.memory_space<vmem_shared>>) dst(%arg9 : memref<80x32xf32, #tpu.memory_space<vmem>>)
    %barrier3A_18 = arith.constant 0 : index
    tpu.barrier barrier_id(%barrier3A_18)
    "tpu.region"() ({
      %run_scoped3A = tpu.sem_alloc : memref<!tpu.dma_semaphore, #tpu.memory_space<semaphore_mem>>
      %dma_start3A_19 = arith.constant 0 : i32
      %dma_start3A_20 = tpu.memref_slice %arg6[%arg0, %mul3A_0, %dma_start3A_19] : memref<2x10016x32xf32, #tpu.memory_space<hbm>> -> memref<1x626x32xf32, #tpu.memory_space<hbm>>
      %dma_start3A_21 = tpu.memref_squeeze %dma_start3A_20 : memref<1x626x32xf32, #tpu.memory_space<hbm>> -> memref<626x32xf32, #tpu.memory_space<hbm>>
      %dma_start3A_22 = arith.constant 0 : i32
      %dma_start3A_23 = tpu.memref_slice %arg12[%mul3A_0, %dma_start3A_22] : memref<10016x32xf32, #tpu.memory_space<vmem_shared>> -> memref<626x32xf32, #tpu.memory_space<vmem_shared>>
      tpu.enqueue_dma source(%dma_start3A_23 : memref<626x32xf32, #tpu.memory_space<vmem_shared>>) target(%dma_start3A_21 : memref<626x32xf32, #tpu.memory_space<hbm>>) target_semaphore(%run_scoped3A : memref<!tpu.dma_semaphore, #tpu.memory_space<semaphore_mem>>)
      %dma_wait3A_24 = arith.constant 0 : i32
      %dma_wait3A_25 = tpu.memref_slice %arg6[%arg0, %mul3A_0, %dma_wait3A_24] : memref<2x10016x32xf32, #tpu.memory_space<hbm>> -> memref<1x626x32xf32, #tpu.memory_space<hbm>>
      %dma_wait3A_26 = tpu.memref_squeeze %dma_wait3A_25 : memref<1x626x32xf32, #tpu.memory_space<hbm>> -> memref<626x32xf32, #tpu.memory_space<hbm>>
      %dma_wait3A_27 = arith.constant 0 : i32
      %dma_wait3A_28 = tpu.memref_slice %arg12[%mul3A_0, %dma_wait3A_27] : memref<10016x32xf32, #tpu.memory_space<vmem_shared>> -> memref<626x32xf32, #tpu.memory_space<vmem_shared>>
      tpu.wait_dma2 semaphore(%run_scoped3A : memref<!tpu.dma_semaphore, #tpu.memory_space<semaphore_mem>>) src(%dma_wait3A_28 : memref<626x32xf32, #tpu.memory_space<vmem_shared>>) dst(%dma_wait3A_26 : memref<626x32xf32, #tpu.memory_space<hbm>>)
      tpu.yield
    }) : () -> ()
    return
  }
}

#map = affine_map<(d0, d1) -> (0, 0, 0)>
#map1 = affine_map<(d0, d1) -> (0, 0)>
module attributes {stable_mosaic.version = 14 : i64} {
  func.func @msg(%arg0: i32, %arg1: i32, %arg2: memref<2x10240x64xf32, #tpu.memory_space<hbm>>, %arg3: memref<16x250x80xi32, #tpu.memory_space<hbm>>, %arg4: memref<16x250x80xi32, #tpu.memory_space<hbm>>, %arg5: memref<10016x64xf32, #tpu.memory_space<hbm>>, %arg6: memref<2x10016x64xf32, #tpu.memory_space<hbm>>, %arg7: memref<250x80xi32, #tpu.memory_space<vmem>>, %arg8: memref<250x80xi32, #tpu.memory_space<vmem>>, %arg9: memref<80x64xf32, #tpu.memory_space<vmem>>, %arg10: memref<80x64xf32, #tpu.memory_space<vmem>>, %arg11: memref<10016x64xf32, #tpu.memory_space<vmem_shared>>, %arg12: memref<10016x64xf32, #tpu.memory_space<vmem_shared>>, %arg13: memref<!tpu.dma_semaphore, #tpu.memory_space<semaphore_mem>>, %arg14: memref<!tpu.dma_semaphore, #tpu.memory_space<semaphore_mem>>) attributes {dimension_semantics = [#tpu.dimension_semantics<core_parallel>, #tpu.dimension_semantics<subcore_parallel>], iteration_bounds = array<i64: 2, 16>, scalar_prefetch = 0 : i64, scratch_operands = 8 : i64, tpu.core_type = #tpu.core_type<sc_vector_subcore>, window_params = [{transform_indices = #map}, {transform_indices = #map}, {transform_indices = #map}, {transform_indices = #map1}, {transform_indices = #map}]} {
    %mul3A = arith.constant 626 : i32
    %mul3A_0 = arith.muli %arg1, %mul3A : i32
    "tpu.region"() ({
      %run_scoped3A = tpu.sem_alloc : memref<!tpu.dma_semaphore, #tpu.memory_space<semaphore_mem>>
      %dma_start3A_19 = arith.constant 0 : i32
      %dma_start3A_20 = tpu.memref_slice %arg12[%mul3A_0, %dma_start3A_19] : memref<10016x64xf32, #tpu.memory_space<vmem_shared>> -> memref<626x64xf32, #tpu.memory_space<vmem_shared>>
      %dma_start3A_21 = arith.constant 0 : i32
      %dma_start3A_22 = tpu.memref_slice %arg5[%mul3A_0, %dma_start3A_21] : memref<10016x64xf32, #tpu.memory_space<hbm>> -> memref<626x64xf32, #tpu.memory_space<hbm>>
      tpu.enqueue_dma source(%dma_start3A_22 : memref<626x64xf32, #tpu.memory_space<hbm>>) target(%dma_start3A_20 : memref<626x64xf32, #tpu.memory_space<vmem_shared>>) target_semaphore(%run_scoped3A : memref<!tpu.dma_semaphore, #tpu.memory_space<semaphore_mem>>)
      %dma_wait3A_23 = arith.constant 0 : i32
      %dma_wait3A_24 = tpu.memref_slice %arg12[%mul3A_0, %dma_wait3A_23] : memref<10016x64xf32, #tpu.memory_space<vmem_shared>> -> memref<626x64xf32, #tpu.memory_space<vmem_shared>>
      %dma_wait3A_25 = arith.constant 0 : i32
      %dma_wait3A_26 = tpu.memref_slice %arg5[%mul3A_0, %dma_wait3A_25] : memref<10016x64xf32, #tpu.memory_space<hbm>> -> memref<626x64xf32, #tpu.memory_space<hbm>>
      tpu.wait_dma2 semaphore(%run_scoped3A : memref<!tpu.dma_semaphore, #tpu.memory_space<semaphore_mem>>) src(%dma_wait3A_26 : memref<626x64xf32, #tpu.memory_space<hbm>>) dst(%dma_wait3A_24 : memref<626x64xf32, #tpu.memory_space<vmem_shared>>)
      tpu.yield
    }) : () -> ()
    "tpu.region"() ({
      %run_scoped3A = tpu.sem_alloc : memref<!tpu.dma_semaphore, #tpu.memory_space<semaphore_mem>>
      %dma_start3A_19 = arith.constant 0 : i32
      %dma_start3A_20 = tpu.memref_slice %arg11[%mul3A_0, %dma_start3A_19] : memref<10016x64xf32, #tpu.memory_space<vmem_shared>> -> memref<626x64xf32, #tpu.memory_space<vmem_shared>>
      %dma_start3A_21 = arith.constant 0 : i32
      %dma_start3A_22 = tpu.memref_slice %arg2[%arg0, %mul3A_0, %dma_start3A_21] : memref<2x10240x64xf32, #tpu.memory_space<hbm>> -> memref<1x626x64xf32, #tpu.memory_space<hbm>>
      %dma_start3A_23 = tpu.memref_squeeze %dma_start3A_22 : memref<1x626x64xf32, #tpu.memory_space<hbm>> -> memref<626x64xf32, #tpu.memory_space<hbm>>
      tpu.enqueue_dma source(%dma_start3A_23 : memref<626x64xf32, #tpu.memory_space<hbm>>) target(%dma_start3A_20 : memref<626x64xf32, #tpu.memory_space<vmem_shared>>) target_semaphore(%run_scoped3A : memref<!tpu.dma_semaphore, #tpu.memory_space<semaphore_mem>>)
      %dma_wait3A_24 = arith.constant 0 : i32
      %dma_wait3A_25 = tpu.memref_slice %arg11[%mul3A_0, %dma_wait3A_24] : memref<10016x64xf32, #tpu.memory_space<vmem_shared>> -> memref<626x64xf32, #tpu.memory_space<vmem_shared>>
      %dma_wait3A_26 = arith.constant 0 : i32
      %dma_wait3A_27 = tpu.memref_slice %arg2[%arg0, %mul3A_0, %dma_wait3A_26] : memref<2x10240x64xf32, #tpu.memory_space<hbm>> -> memref<1x626x64xf32, #tpu.memory_space<hbm>>
      %dma_wait3A_28 = tpu.memref_squeeze %dma_wait3A_27 : memref<1x626x64xf32, #tpu.memory_space<hbm>> -> memref<626x64xf32, #tpu.memory_space<hbm>>
      tpu.wait_dma2 semaphore(%run_scoped3A : memref<!tpu.dma_semaphore, #tpu.memory_space<semaphore_mem>>) src(%dma_wait3A_28 : memref<626x64xf32, #tpu.memory_space<hbm>>) dst(%dma_wait3A_25 : memref<626x64xf32, #tpu.memory_space<vmem_shared>>)
      tpu.yield
    }) : () -> ()
    "tpu.region"() ({
      %run_scoped3A = tpu.sem_alloc : memref<!tpu.dma_semaphore, #tpu.memory_space<semaphore_mem>>
      %dma_start3A_19 = arith.constant 0 : i32
      %dma_start3A_20 = arith.constant 0 : i32
      %dma_start3A_21 = tpu.memref_slice %arg3[%arg1, %dma_start3A_19, %dma_start3A_20] : memref<16x250x80xi32, #tpu.memory_space<hbm>> -> memref<1x250x80xi32, #tpu.memory_space<hbm>>
      %dma_start3A_22 = tpu.memref_squeeze %dma_start3A_21 : memref<1x250x80xi32, #tpu.memory_space<hbm>> -> memref<250x80xi32, #tpu.memory_space<hbm>>
      %dma_start3A_23 = arith.constant 0 : i32
      %dma_start3A_24 = arith.constant 0 : i32
      %dma_start3A_25 = tpu.memref_slice %arg3[%arg1, %dma_start3A_23, %dma_start3A_24] : memref<16x250x80xi32, #tpu.memory_space<hbm>> -> memref<1x250x80xi32, #tpu.memory_space<hbm>>
      %dma_start3A_26 = tpu.memref_squeeze %dma_start3A_25 : memref<1x250x80xi32, #tpu.memory_space<hbm>> -> memref<250x80xi32, #tpu.memory_space<hbm>>
      tpu.enqueue_dma source(%dma_start3A_26 : memref<250x80xi32, #tpu.memory_space<hbm>>) target(%arg7 : memref<250x80xi32, #tpu.memory_space<vmem>>) target_semaphore(%run_scoped3A : memref<!tpu.dma_semaphore, #tpu.memory_space<semaphore_mem>>)
      %dma_wait3A_27 = arith.constant 0 : i32
      %dma_wait3A_28 = arith.constant 0 : i32
      %dma_wait3A_29 = tpu.memref_slice %arg3[%arg1, %dma_wait3A_27, %dma_wait3A_28] : memref<16x250x80xi32, #tpu.memory_space<hbm>> -> memref<1x250x80xi32, #tpu.memory_space<hbm>>
      %dma_wait3A_30 = tpu.memref_squeeze %dma_wait3A_29 : memref<1x250x80xi32, #tpu.memory_space<hbm>> -> memref<250x80xi32, #tpu.memory_space<hbm>>
      %dma_wait3A_31 = arith.constant 0 : i32
      %dma_wait3A_32 = arith.constant 0 : i32
      %dma_wait3A_33 = tpu.memref_slice %arg3[%arg1, %dma_wait3A_31, %dma_wait3A_32] : memref<16x250x80xi32, #tpu.memory_space<hbm>> -> memref<1x250x80xi32, #tpu.memory_space<hbm>>
      %dma_wait3A_34 = tpu.memref_squeeze %dma_wait3A_33 : memref<1x250x80xi32, #tpu.memory_space<hbm>> -> memref<250x80xi32, #tpu.memory_space<hbm>>
      tpu.wait_dma2 semaphore(%run_scoped3A : memref<!tpu.dma_semaphore, #tpu.memory_space<semaphore_mem>>) src(%dma_wait3A_34 : memref<250x80xi32, #tpu.memory_space<hbm>>) dst(%arg7 : memref<250x80xi32, #tpu.memory_space<vmem>>)
      tpu.yield
    }) : () -> ()
    "tpu.region"() ({
      %run_scoped3A = tpu.sem_alloc : memref<!tpu.dma_semaphore, #tpu.memory_space<semaphore_mem>>
      %dma_start3A_19 = arith.constant 0 : i32
      %dma_start3A_20 = arith.constant 0 : i32
      %dma_start3A_21 = tpu.memref_slice %arg4[%arg1, %dma_start3A_19, %dma_start3A_20] : memref<16x250x80xi32, #tpu.memory_space<hbm>> -> memref<1x250x80xi32, #tpu.memory_space<hbm>>
      %dma_start3A_22 = tpu.memref_squeeze %dma_start3A_21 : memref<1x250x80xi32, #tpu.memory_space<hbm>> -> memref<250x80xi32, #tpu.memory_space<hbm>>
      %dma_start3A_23 = arith.constant 0 : i32
      %dma_start3A_24 = arith.constant 0 : i32
      %dma_start3A_25 = tpu.memref_slice %arg4[%arg1, %dma_start3A_23, %dma_start3A_24] : memref<16x250x80xi32, #tpu.memory_space<hbm>> -> memref<1x250x80xi32, #tpu.memory_space<hbm>>
      %dma_start3A_26 = tpu.memref_squeeze %dma_start3A_25 : memref<1x250x80xi32, #tpu.memory_space<hbm>> -> memref<250x80xi32, #tpu.memory_space<hbm>>
      tpu.enqueue_dma source(%dma_start3A_26 : memref<250x80xi32, #tpu.memory_space<hbm>>) target(%arg8 : memref<250x80xi32, #tpu.memory_space<vmem>>) target_semaphore(%run_scoped3A : memref<!tpu.dma_semaphore, #tpu.memory_space<semaphore_mem>>)
      %dma_wait3A_27 = arith.constant 0 : i32
      %dma_wait3A_28 = arith.constant 0 : i32
      %dma_wait3A_29 = tpu.memref_slice %arg4[%arg1, %dma_wait3A_27, %dma_wait3A_28] : memref<16x250x80xi32, #tpu.memory_space<hbm>> -> memref<1x250x80xi32, #tpu.memory_space<hbm>>
      %dma_wait3A_30 = tpu.memref_squeeze %dma_wait3A_29 : memref<1x250x80xi32, #tpu.memory_space<hbm>> -> memref<250x80xi32, #tpu.memory_space<hbm>>
      %dma_wait3A_31 = arith.constant 0 : i32
      %dma_wait3A_32 = arith.constant 0 : i32
      %dma_wait3A_33 = tpu.memref_slice %arg4[%arg1, %dma_wait3A_31, %dma_wait3A_32] : memref<16x250x80xi32, #tpu.memory_space<hbm>> -> memref<1x250x80xi32, #tpu.memory_space<hbm>>
      %dma_wait3A_34 = tpu.memref_squeeze %dma_wait3A_33 : memref<1x250x80xi32, #tpu.memory_space<hbm>> -> memref<250x80xi32, #tpu.memory_space<hbm>>
      tpu.wait_dma2 semaphore(%run_scoped3A : memref<!tpu.dma_semaphore, #tpu.memory_space<semaphore_mem>>) src(%dma_wait3A_34 : memref<250x80xi32, #tpu.memory_space<hbm>>) dst(%arg8 : memref<250x80xi32, #tpu.memory_space<vmem>>)
      tpu.yield
    }) : () -> ()
    %barrier3A = arith.constant 0 : index
    tpu.barrier barrier_id(%barrier3A)
    %dma_start3A = arith.constant 0 : i32
    %dma_start3A_1 = arith.constant 0 : i32
    %dma_start3A_2 = tpu.memref_slice %arg7[%dma_start3A, %dma_start3A_1] : memref<250x80xi32, #tpu.memory_space<vmem>> -> memref<1x80xi32, #tpu.memory_space<vmem>>
    %dma_start3A_3 = tpu.memref_squeeze %dma_start3A_2 : memref<1x80xi32, #tpu.memory_space<vmem>> -> memref<80xi32, #tpu.memory_space<vmem>>
    %dma_start3A_4 = arith.constant 0 : i32
    %dma_start3A_5 = arith.constant 0 : i32
    %dma_start3A_6 = tpu.memref_slice %arg11[%dma_start3A_4, %dma_start3A_5] : memref<10016x64xf32, #tpu.memory_space<vmem_shared>> -> memref<10016x64xf32, #tpu.memory_space<vmem_shared>>
    tpu.enqueue_indirect_dma source(%dma_start3A_6 : memref<10016x64xf32, #tpu.memory_space<vmem_shared>>) target(%arg9 : memref<80x64xf32, #tpu.memory_space<vmem>>) offsets(%dma_start3A_3 : memref<80xi32, #tpu.memory_space<vmem>>) semaphore(%arg13 : memref<!tpu.dma_semaphore, #tpu.memory_space<semaphore_mem>>)
    %scan3A = arith.constant 0 : i32
    %scan3A_7 = arith.constant 0 : i32
    %scan3A_8 = arith.constant 125 : i32
    %scan3A_9 = arith.addi %scan3A_7, %scan3A_8 : i32
    %scan3A_10 = arith.constant 1 : i32
    scf.for %scan3A_19 = %scan3A_7 to %scan3A_9 step %scan3A_10  : i32 {
      %mul3A_20 = arith.constant 2 : i32
      %mul3A_21 = arith.muli %mul3A_20, %scan3A_19 : i32
      %dma_wait3A_22 = arith.constant 0 : i32
      %dma_wait3A_23 = tpu.memref_slice %arg7[%mul3A_21, %dma_wait3A_22] : memref<250x80xi32, #tpu.memory_space<vmem>> -> memref<1x80xi32, #tpu.memory_space<vmem>>
      %dma_wait3A_24 = tpu.memref_squeeze %dma_wait3A_23 : memref<1x80xi32, #tpu.memory_space<vmem>> -> memref<80xi32, #tpu.memory_space<vmem>>
      %dma_wait3A_25 = arith.constant 0 : i32
      %dma_wait3A_26 = arith.constant 0 : i32
      %dma_wait3A_27 = tpu.memref_slice %arg11[%dma_wait3A_25, %dma_wait3A_26] : memref<10016x64xf32, #tpu.memory_space<vmem_shared>> -> memref<10016x64xf32, #tpu.memory_space<vmem_shared>>
      tpu.wait_indirect_dma semaphore(%arg13 : memref<!tpu.dma_semaphore, #tpu.memory_space<semaphore_mem>>) src(%dma_wait3A_27 : memref<10016x64xf32, #tpu.memory_space<vmem_shared>>) dst(%arg9 : memref<80x64xf32, #tpu.memory_space<vmem>>)
      %add3A = arith.constant 1 : i32
      %add3A_28 = arith.addi %mul3A_21, %add3A : i32
      %dma_start3A_29 = arith.constant 0 : i32
      %dma_start3A_30 = tpu.memref_slice %arg7[%add3A_28, %dma_start3A_29] : memref<250x80xi32, #tpu.memory_space<vmem>> -> memref<1x80xi32, #tpu.memory_space<vmem>>
      %dma_start3A_31 = tpu.memref_squeeze %dma_start3A_30 : memref<1x80xi32, #tpu.memory_space<vmem>> -> memref<80xi32, #tpu.memory_space<vmem>>
      %dma_start3A_32 = arith.constant 0 : i32
      %dma_start3A_33 = arith.constant 0 : i32
      %dma_start3A_34 = tpu.memref_slice %arg11[%dma_start3A_32, %dma_start3A_33] : memref<10016x64xf32, #tpu.memory_space<vmem_shared>> -> memref<10016x64xf32, #tpu.memory_space<vmem_shared>>
      tpu.enqueue_indirect_dma source(%dma_start3A_34 : memref<10016x64xf32, #tpu.memory_space<vmem_shared>>) target(%arg10 : memref<80x64xf32, #tpu.memory_space<vmem>>) offsets(%dma_start3A_31 : memref<80xi32, #tpu.memory_space<vmem>>) semaphore(%arg14 : memref<!tpu.dma_semaphore, #tpu.memory_space<semaphore_mem>>)
      "tpu.region"() ({
        %run_scoped3A = tpu.sem_alloc : memref<!tpu.dma_semaphore, #tpu.memory_space<semaphore_mem>>
        %dma_start3A_54 = arith.constant 0 : i32
        %dma_start3A_55 = tpu.memref_slice %arg8[%mul3A_21, %dma_start3A_54] : memref<250x80xi32, #tpu.memory_space<vmem>> -> memref<1x80xi32, #tpu.memory_space<vmem>>
        %dma_start3A_56 = tpu.memref_squeeze %dma_start3A_55 : memref<1x80xi32, #tpu.memory_space<vmem>> -> memref<80xi32, #tpu.memory_space<vmem>>
        %dma_start3A_57 = arith.constant 0 : i32
        %dma_start3A_58 = arith.constant 0 : i32
        %dma_start3A_59 = tpu.memref_slice %arg12[%dma_start3A_57, %dma_start3A_58] : memref<10016x64xf32, #tpu.memory_space<vmem_shared>> -> memref<10016x64xf32, #tpu.memory_space<vmem_shared>>
        tpu.enqueue_indirect_dma source(%arg9 : memref<80x64xf32, #tpu.memory_space<vmem>>) target(%dma_start3A_59 : memref<10016x64xf32, #tpu.memory_space<vmem_shared>>) offsets(%dma_start3A_56 : memref<80xi32, #tpu.memory_space<vmem>>) semaphore(%run_scoped3A : memref<!tpu.dma_semaphore, #tpu.memory_space<semaphore_mem>>) {add = true}
        %dma_wait3A_60 = arith.constant 0 : i32
        %dma_wait3A_61 = tpu.memref_slice %arg8[%mul3A_21, %dma_wait3A_60] : memref<250x80xi32, #tpu.memory_space<vmem>> -> memref<1x80xi32, #tpu.memory_space<vmem>>
        %dma_wait3A_62 = tpu.memref_squeeze %dma_wait3A_61 : memref<1x80xi32, #tpu.memory_space<vmem>> -> memref<80xi32, #tpu.memory_space<vmem>>
        %dma_wait3A_63 = arith.constant 0 : i32
        %dma_wait3A_64 = arith.constant 0 : i32
        %dma_wait3A_65 = tpu.memref_slice %arg12[%dma_wait3A_63, %dma_wait3A_64] : memref<10016x64xf32, #tpu.memory_space<vmem_shared>> -> memref<10016x64xf32, #tpu.memory_space<vmem_shared>>
        tpu.wait_indirect_dma semaphore(%run_scoped3A : memref<!tpu.dma_semaphore, #tpu.memory_space<semaphore_mem>>) src(%arg9 : memref<80x64xf32, #tpu.memory_space<vmem>>) dst(%dma_wait3A_65 : memref<10016x64xf32, #tpu.memory_space<vmem_shared>>)
        tpu.yield
      }) : () -> ()
      %add3A_35 = arith.constant 2 : i32
      %add3A_36 = arith.addi %mul3A_21, %add3A_35 : i32
      %min3A = arith.constant 249 : i32
      %min3A_37 = arith.minsi %add3A_36, %min3A : i32
      %add3A_38 = arith.constant 1 : i32
      %add3A_39 = arith.addi %mul3A_21, %add3A_38 : i32
      %dma_wait3A_40 = arith.constant 0 : i32
      %dma_wait3A_41 = tpu.memref_slice %arg7[%add3A_39, %dma_wait3A_40] : memref<250x80xi32, #tpu.memory_space<vmem>> -> memref<1x80xi32, #tpu.memory_space<vmem>>
      %dma_wait3A_42 = tpu.memref_squeeze %dma_wait3A_41 : memref<1x80xi32, #tpu.memory_space<vmem>> -> memref<80xi32, #tpu.memory_space<vmem>>
      %dma_wait3A_43 = arith.constant 0 : i32
      %dma_wait3A_44 = arith.constant 0 : i32
      %dma_wait3A_45 = tpu.memref_slice %arg11[%dma_wait3A_43, %dma_wait3A_44] : memref<10016x64xf32, #tpu.memory_space<vmem_shared>> -> memref<10016x64xf32, #tpu.memory_space<vmem_shared>>
      tpu.wait_indirect_dma semaphore(%arg14 : memref<!tpu.dma_semaphore, #tpu.memory_space<semaphore_mem>>) src(%dma_wait3A_45 : memref<10016x64xf32, #tpu.memory_space<vmem_shared>>) dst(%arg10 : memref<80x64xf32, #tpu.memory_space<vmem>>)
      %dma_start3A_46 = arith.constant 0 : i32
      %dma_start3A_47 = tpu.memref_slice %arg7[%min3A_37, %dma_start3A_46] : memref<250x80xi32, #tpu.memory_space<vmem>> -> memref<1x80xi32, #tpu.memory_space<vmem>>
      %dma_start3A_48 = tpu.memref_squeeze %dma_start3A_47 : memref<1x80xi32, #tpu.memory_space<vmem>> -> memref<80xi32, #tpu.memory_space<vmem>>
      %dma_start3A_49 = arith.constant 0 : i32
      %dma_start3A_50 = arith.constant 0 : i32
      %dma_start3A_51 = tpu.memref_slice %arg11[%dma_start3A_49, %dma_start3A_50] : memref<10016x64xf32, #tpu.memory_space<vmem_shared>> -> memref<10016x64xf32, #tpu.memory_space<vmem_shared>>
      tpu.enqueue_indirect_dma source(%dma_start3A_51 : memref<10016x64xf32, #tpu.memory_space<vmem_shared>>) target(%arg9 : memref<80x64xf32, #tpu.memory_space<vmem>>) offsets(%dma_start3A_48 : memref<80xi32, #tpu.memory_space<vmem>>) semaphore(%arg13 : memref<!tpu.dma_semaphore, #tpu.memory_space<semaphore_mem>>)
      %add3A_52 = arith.constant 1 : i32
      %add3A_53 = arith.addi %mul3A_21, %add3A_52 : i32
      "tpu.region"() ({
        %run_scoped3A = tpu.sem_alloc : memref<!tpu.dma_semaphore, #tpu.memory_space<semaphore_mem>>
        %dma_start3A_54 = arith.constant 0 : i32
        %dma_start3A_55 = tpu.memref_slice %arg8[%add3A_53, %dma_start3A_54] : memref<250x80xi32, #tpu.memory_space<vmem>> -> memref<1x80xi32, #tpu.memory_space<vmem>>
        %dma_start3A_56 = tpu.memref_squeeze %dma_start3A_55 : memref<1x80xi32, #tpu.memory_space<vmem>> -> memref<80xi32, #tpu.memory_space<vmem>>
        %dma_start3A_57 = arith.constant 0 : i32
        %dma_start3A_58 = arith.constant 0 : i32
        %dma_start3A_59 = tpu.memref_slice %arg12[%dma_start3A_57, %dma_start3A_58] : memref<10016x64xf32, #tpu.memory_space<vmem_shared>> -> memref<10016x64xf32, #tpu.memory_space<vmem_shared>>
        tpu.enqueue_indirect_dma source(%arg10 : memref<80x64xf32, #tpu.memory_space<vmem>>) target(%dma_start3A_59 : memref<10016x64xf32, #tpu.memory_space<vmem_shared>>) offsets(%dma_start3A_56 : memref<80xi32, #tpu.memory_space<vmem>>) semaphore(%run_scoped3A : memref<!tpu.dma_semaphore, #tpu.memory_space<semaphore_mem>>) {add = true}
        %dma_wait3A_60 = arith.constant 0 : i32
        %dma_wait3A_61 = tpu.memref_slice %arg8[%add3A_53, %dma_wait3A_60] : memref<250x80xi32, #tpu.memory_space<vmem>> -> memref<1x80xi32, #tpu.memory_space<vmem>>
        %dma_wait3A_62 = tpu.memref_squeeze %dma_wait3A_61 : memref<1x80xi32, #tpu.memory_space<vmem>> -> memref<80xi32, #tpu.memory_space<vmem>>
        %dma_wait3A_63 = arith.constant 0 : i32
        %dma_wait3A_64 = arith.constant 0 : i32
        %dma_wait3A_65 = tpu.memref_slice %arg12[%dma_wait3A_63, %dma_wait3A_64] : memref<10016x64xf32, #tpu.memory_space<vmem_shared>> -> memref<10016x64xf32, #tpu.memory_space<vmem_shared>>
        tpu.wait_indirect_dma semaphore(%run_scoped3A : memref<!tpu.dma_semaphore, #tpu.memory_space<semaphore_mem>>) src(%arg10 : memref<80x64xf32, #tpu.memory_space<vmem>>) dst(%dma_wait3A_65 : memref<10016x64xf32, #tpu.memory_space<vmem_shared>>)
        tpu.yield
      }) : () -> ()
    }
    %scan3A_11 = arith.constant 125 : i32
    %dma_wait3A = arith.constant 249 : i32
    %dma_wait3A_12 = arith.constant 0 : i32
    %dma_wait3A_13 = tpu.memref_slice %arg7[%dma_wait3A, %dma_wait3A_12] : memref<250x80xi32, #tpu.memory_space<vmem>> -> memref<1x80xi32, #tpu.memory_space<vmem>>
    %dma_wait3A_14 = tpu.memref_squeeze %dma_wait3A_13 : memref<1x80xi32, #tpu.memory_space<vmem>> -> memref<80xi32, #tpu.memory_space<vmem>>
    %dma_wait3A_15 = arith.constant 0 : i32
    %dma_wait3A_16 = arith.constant 0 : i32
    %dma_wait3A_17 = tpu.memref_slice %arg11[%dma_wait3A_15, %dma_wait3A_16] : memref<10016x64xf32, #tpu.memory_space<vmem_shared>> -> memref<10016x64xf32, #tpu.memory_space<vmem_shared>>
    tpu.wait_indirect_dma semaphore(%arg13 : memref<!tpu.dma_semaphore, #tpu.memory_space<semaphore_mem>>) src(%dma_wait3A_17 : memref<10016x64xf32, #tpu.memory_space<vmem_shared>>) dst(%arg9 : memref<80x64xf32, #tpu.memory_space<vmem>>)
    %barrier3A_18 = arith.constant 0 : index
    tpu.barrier barrier_id(%barrier3A_18)
    "tpu.region"() ({
      %run_scoped3A = tpu.sem_alloc : memref<!tpu.dma_semaphore, #tpu.memory_space<semaphore_mem>>
      %dma_start3A_19 = arith.constant 0 : i32
      %dma_start3A_20 = tpu.memref_slice %arg6[%arg0, %mul3A_0, %dma_start3A_19] : memref<2x10016x64xf32, #tpu.memory_space<hbm>> -> memref<1x626x64xf32, #tpu.memory_space<hbm>>
      %dma_start3A_21 = tpu.memref_squeeze %dma_start3A_20 : memref<1x626x64xf32, #tpu.memory_space<hbm>> -> memref<626x64xf32, #tpu.memory_space<hbm>>
      %dma_start3A_22 = arith.constant 0 : i32
      %dma_start3A_23 = tpu.memref_slice %arg12[%mul3A_0, %dma_start3A_22] : memref<10016x64xf32, #tpu.memory_space<vmem_shared>> -> memref<626x64xf32, #tpu.memory_space<vmem_shared>>
      tpu.enqueue_dma source(%dma_start3A_23 : memref<626x64xf32, #tpu.memory_space<vmem_shared>>) target(%dma_start3A_21 : memref<626x64xf32, #tpu.memory_space<hbm>>) target_semaphore(%run_scoped3A : memref<!tpu.dma_semaphore, #tpu.memory_space<semaphore_mem>>)
      %dma_wait3A_24 = arith.constant 0 : i32
      %dma_wait3A_25 = tpu.memref_slice %arg6[%arg0, %mul3A_0, %dma_wait3A_24] : memref<2x10016x64xf32, #tpu.memory_space<hbm>> -> memref<1x626x64xf32, #tpu.memory_space<hbm>>
      %dma_wait3A_26 = tpu.memref_squeeze %dma_wait3A_25 : memref<1x626x64xf32, #tpu.memory_space<hbm>> -> memref<626x64xf32, #tpu.memory_space<hbm>>
      %dma_wait3A_27 = arith.constant 0 : i32
      %dma_wait3A_28 = tpu.memref_slice %arg12[%mul3A_0, %dma_wait3A_27] : memref<10016x64xf32, #tpu.memory_space<vmem_shared>> -> memref<626x64xf32, #tpu.memory_space<vmem_shared>>
      tpu.wait_dma2 semaphore(%run_scoped3A : memref<!tpu.dma_semaphore, #tpu.memory_space<semaphore_mem>>) src(%dma_wait3A_28 : memref<626x64xf32, #tpu.memory_space<vmem_shared>>) dst(%dma_wait3A_26 : memref<626x64xf32, #tpu.memory_space<hbm>>)
      tpu.yield
    }) : () -> ()
    return
  }
}

module attributes {stable_mosaic.version = 14 : i64} {
  func.func @_tc1_body(%arg0: i32, %arg1: memref<32x1024xf32, #tpu.memory_space<vmem>>, %arg2: memref<1024x128xf32, #tpu.memory_space<vmem>>, %arg3: memref<128x128xf32, #tpu.memory_space<vmem>>, %arg4: memref<2x1024x64xf32, #tpu.memory_space<vmem>>, %arg5: memref<1024x1xf32, #tpu.memory_space<vmem>>) attributes {dimension_semantics = [#tpu.dimension_semantics<arbitrary>], iteration_bounds = array<i64: 10>, scalar_prefetch = 0 : i64, scratch_operands = 0 : i64, tpu.core_type = #tpu.core_type<tc>, window_params = [{transform_indices = @transform_0, window_bounds = array<i64: 32, 1024>}, {transform_indices = @transform_1, window_bounds = array<i64: 1024, 128>}, {pipeline_mode = #tpu.pipeline_mode<synchronous>, transform_indices = @transform_2, window_bounds = array<i64: 128, 128>}, {transform_indices = @transform_3, window_bounds = array<i64: 2, 1024, 64>}, {transform_indices = @transform_4, window_bounds = array<i64: 1024, 1>}]} {
    %get3A = arith.constant 0 : index
    %get3A_0 = arith.constant 0 : index
    %get3A_1 = vector.load %arg1[%get3A, %get3A_0] : memref<32x1024xf32, #tpu.memory_space<vmem>>, vector<32x1024xf32>
    %reduce_sum3A = arith.constant dense<0.000000e+00> : vector<1024xf32>
    %reduce_sum3A_2 = vector.multi_reduction <add>, %get3A_1, %reduce_sum3A [0] : vector<32x1024xf32> to vector<1024xf32>
    %add3A = arith.constant 1.000000e+00 : f32
    %add3A_3 = vector.broadcast %add3A : f32 to vector<1024xf32>
    %add3A_4 = arith.addf %reduce_sum3A_2, %add3A_3 : vector<1024xf32>
    %max3A = arith.constant 1.000000e+00 : f32
    %max3A_5 = vector.broadcast %max3A : f32 to vector<1024xf32>
    %max3A_6 = arith.maximumf %add3A_4, %max3A_5 : vector<1024xf32>
    %rsqrt3A = math.rsqrt %max3A_6 : vector<1024xf32>
    %broadcast_in_dim3A = vector.shape_cast %rsqrt3A : vector<1024xf32> to vector<1024x1xf32>
    %swap3A = arith.constant 0 : index
    %swap3A_7 = arith.constant 0 : index
    %swap3A_8 = vector.load %arg5[%swap3A, %swap3A_7] : memref<1024x1xf32, #tpu.memory_space<vmem>>, vector<1024x1xf32>
    tpu.vector_store %arg5[%swap3A, %swap3A_7], %broadcast_in_dim3A {strides = array<i32>} : memref<1024x1xf32, #tpu.memory_space<vmem>>, vector<1024x1xf32>,
    %get3A_9 = arith.constant 0 : index
    %get3A_10 = arith.constant 0 : index
    %get3A_11 = vector.load %arg2[%get3A_9, %get3A_10] : memref<1024x128xf32, #tpu.memory_space<vmem>>, vector<1024x128xf32>
    %get3A_12 = arith.constant 0 : index
    %get3A_13 = arith.constant 0 : index
    %get3A_14 = vector.load %arg3[%get3A_12, %get3A_13] : memref<128x128xf32, #tpu.memory_space<vmem>>, vector<128x128xf32>
    %dot_general3A = arith.constant dense<0.000000e+00> : vector<1024x128xf32>
    %dot_general3A_15 = tpu.matmul %get3A_11, %get3A_14, %dot_general3A {dimension_numbers = #tpu.dot_dimension_numbers<[1], [0], [0], [1], [0, 0, 1, 1], [], []>, transpose_lhs_hint = false} : vector<1024x128xf32>, vector<128x128xf32>, vector<1024x128xf32> -> vector<1024x128xf32>
    %broadcast_in_dim3A_16 = vector.shape_cast %rsqrt3A : vector<1024xf32> to vector<1024x1xf32>
    %mul3A = vector.broadcast %broadcast_in_dim3A_16 : vector<1024x1xf32> to vector<1024x128xf32>
    %mul3A_17 = arith.mulf %dot_general3A_15, %mul3A : vector<1024x128xf32>
    %slice3A = vector.extract_strided_slice %mul3A_17 {offsets = [0, 0], sizes = [1024, 64], strides = [1, 1]} : vector<1024x128xf32> to vector<1024x64xf32>
    %swap3A_18 = arith.constant 0 : index
    %swap3A_19 = arith.constant 0 : index
    %swap3A_20 = arith.constant 0 : index
    %swap3A_21 = vector.load %arg4[%swap3A_18, %swap3A_19, %swap3A_20] : memref<2x1024x64xf32, #tpu.memory_space<vmem>>, vector<1x1024x64xf32>
    %swap3A_22 = vector.shape_cast %swap3A_21 : vector<1x1024x64xf32> to vector<1024x64xf32>
    %swap3A_23 = vector.shape_cast %slice3A : vector<1024x64xf32> to vector<1x1024x64xf32>
    tpu.vector_store %arg4[%swap3A_18, %swap3A_19, %swap3A_20], %swap3A_23 {strides = array<i32>} : memref<2x1024x64xf32, #tpu.memory_space<vmem>>, vector<1x1024x64xf32>,
    %slice3A_24 = vector.extract_strided_slice %mul3A_17 {offsets = [0, 64], sizes = [1024, 64], strides = [1, 1]} : vector<1024x128xf32> to vector<1024x64xf32>
    %swap3A_25 = arith.constant 1 : index
    %swap3A_26 = arith.constant 0 : index
    %swap3A_27 = arith.constant 0 : index
    %swap3A_28 = vector.load %arg4[%swap3A_25, %swap3A_26, %swap3A_27] : memref<2x1024x64xf32, #tpu.memory_space<vmem>>, vector<1x1024x64xf32>
    %swap3A_29 = vector.shape_cast %swap3A_28 : vector<1x1024x64xf32> to vector<1024x64xf32>
    %swap3A_30 = vector.shape_cast %slice3A_24 : vector<1024x64xf32> to vector<1x1024x64xf32>
    tpu.vector_store %arg4[%swap3A_25, %swap3A_26, %swap3A_27], %swap3A_30 {strides = array<i32>} : memref<2x1024x64xf32, #tpu.memory_space<vmem>>, vector<1x1024x64xf32>,
    return
  }
  func.func @transform_0(%arg0: i32) -> (i32, i32) {
    %c0_i32 = arith.constant 0 : i32
    %c0_i32_0 = arith.constant 0 : i32
    return %c0_i32, %arg0 : i32, i32
  }
  func.func @transform_1(%arg0: i32) -> (i32, i32) {
    %c0_i32 = arith.constant 0 : i32
    %c0_i32_0 = arith.constant 0 : i32
    return %arg0, %c0_i32 : i32, i32
  }
  func.func @transform_2(%arg0: i32) -> (i32, i32) {
    %c0_i32 = arith.constant 0 : i32
    %c0_i32_0 = arith.constant 0 : i32
    %c0_i32_1 = arith.constant 0 : i32
    return %c0_i32, %c0_i32_0 : i32, i32
  }
  func.func @transform_3(%arg0: i32) -> (i32, i32, i32) {
    %c0_i32 = arith.constant 0 : i32
    %c0_i32_0 = arith.constant 0 : i32
    %c0_i32_1 = arith.constant 0 : i32
    return %c0_i32, %arg0, %c0_i32_0 : i32, i32, i32
  }
  func.func @transform_4(%arg0: i32) -> (i32, i32) {
    %c0_i32 = arith.constant 0 : i32
    %c0_i32_0 = arith.constant 0 : i32
    return %arg0, %c0_i32 : i32, i32
  }
}

module attributes {stable_mosaic.version = 14 : i64} {
  func.func @_tc2_body(%arg0: i32, %arg1: memref<1000x1xf32, #tpu.memory_space<vmem>>, %arg2: memref<2x1000x64xf32, #tpu.memory_space<vmem>>, %arg3: memref<2x1000x64xf32, #tpu.memory_space<vmem>>, %arg4: memref<1x128xf32, #tpu.memory_space<vmem>>, %arg5: memref<128x64xf32, #tpu.memory_space<vmem>>, %arg6: memref<2x1000x32xf32, #tpu.memory_space<vmem>>) attributes {dimension_semantics = [#tpu.dimension_semantics<arbitrary>], iteration_bounds = array<i64: 10>, scalar_prefetch = 0 : i64, scratch_operands = 0 : i64, tpu.core_type = #tpu.core_type<tc>, window_params = [{transform_indices = @transform_0, window_bounds = array<i64: 1000, 1>}, {transform_indices = @transform_1, window_bounds = array<i64: 2, 1000, 64>}, {transform_indices = @transform_2, window_bounds = array<i64: 2, 1000, 64>}, {pipeline_mode = #tpu.pipeline_mode<synchronous>, transform_indices = @transform_3, window_bounds = array<i64: 1, 128>}, {pipeline_mode = #tpu.pipeline_mode<synchronous>, transform_indices = @transform_4, window_bounds = array<i64: 128, 64>}, {transform_indices = @transform_5, window_bounds = array<i64: 2, 1000, 32>}]} {
    %get3A = arith.constant 0 : index
    %get3A_0 = arith.constant 0 : index
    %get3A_1 = vector.load %arg1[%get3A, %get3A_0] : memref<1000x1xf32, #tpu.memory_space<vmem>>, vector<1000x1xf32>
    %get3A_2 = arith.constant 0 : index
    %get3A_3 = arith.constant 0 : index
    %get3A_4 = arith.constant 0 : index
    %get3A_5 = vector.load %arg2[%get3A_2, %get3A_3, %get3A_4] : memref<2x1000x64xf32, #tpu.memory_space<vmem>>, vector<1x1000x64xf32>
    %get3A_6 = vector.shape_cast %get3A_5 : vector<1x1000x64xf32> to vector<1000x64xf32>
    %get3A_7 = arith.constant 1 : index
    %get3A_8 = arith.constant 0 : index
    %get3A_9 = arith.constant 0 : index
    %get3A_10 = vector.load %arg2[%get3A_7, %get3A_8, %get3A_9] : memref<2x1000x64xf32, #tpu.memory_space<vmem>>, vector<1x1000x64xf32>
    %get3A_11 = vector.shape_cast %get3A_10 : vector<1x1000x64xf32> to vector<1000x64xf32>
    %concatenate3A = tpu.concatenate %get3A_6, %get3A_11 in 1 : vector<1000x64xf32>, vector<1000x64xf32> -> vector<1000x128xf32>
    %get3A_12 = arith.constant 0 : index
    %get3A_13 = arith.constant 0 : index
    %get3A_14 = arith.constant 0 : index
    %get3A_15 = vector.load %arg3[%get3A_12, %get3A_13, %get3A_14] : memref<2x1000x64xf32, #tpu.memory_space<vmem>>, vector<1x1000x64xf32>
    %get3A_16 = vector.shape_cast %get3A_15 : vector<1x1000x64xf32> to vector<1000x64xf32>
    %get3A_17 = arith.constant 1 : index
    %get3A_18 = arith.constant 0 : index
    %get3A_19 = arith.constant 0 : index
    %get3A_20 = vector.load %arg3[%get3A_17, %get3A_18, %get3A_19] : memref<2x1000x64xf32, #tpu.memory_space<vmem>>, vector<1x1000x64xf32>
    %get3A_21 = vector.shape_cast %get3A_20 : vector<1x1000x64xf32> to vector<1000x64xf32>
    %concatenate3A_22 = tpu.concatenate %get3A_16, %get3A_21 in 1 : vector<1000x64xf32>, vector<1000x64xf32> -> vector<1000x128xf32>
    %add3A = arith.addf %concatenate3A, %concatenate3A_22 : vector<1000x128xf32>
    %mul3A = vector.broadcast %get3A_1 : vector<1000x1xf32> to vector<1000x128xf32>
    %mul3A_23 = arith.mulf %add3A, %mul3A : vector<1000x128xf32>
    %get3A_24 = arith.constant 0 : index
    %get3A_25 = arith.constant 0 : index
    %get3A_26 = vector.load %arg4[%get3A_24, %get3A_25] : memref<1x128xf32, #tpu.memory_space<vmem>>, vector<1x128xf32>
    %get3A_27 = vector.shape_cast %get3A_26 : vector<1x128xf32> to vector<128xf32>
    %broadcast_in_dim3A = vector.shape_cast %get3A_27 : vector<128xf32> to vector<1x128xf32>
    %add3A_28 = vector.broadcast %broadcast_in_dim3A : vector<1x128xf32> to vector<1000x128xf32>
    %add3A_29 = arith.addf %mul3A_23, %add3A_28 : vector<1000x128xf32>
    %max3A = arith.constant 0.000000e+00 : f32
    %max3A_30 = vector.broadcast %max3A : f32 to vector<1000x128xf32>
    %max3A_31 = arith.maximumf %add3A_29, %max3A_30 : vector<1000x128xf32>
    %get3A_32 = arith.constant 0 : index
    %get3A_33 = arith.constant 0 : index
    %get3A_34 = vector.load %arg5[%get3A_32, %get3A_33] : memref<128x64xf32, #tpu.memory_space<vmem>>, vector<128x64xf32>
    %dot_general3A = arith.constant dense<0.000000e+00> : vector<1000x64xf32>
    %dot_general3A_35 = tpu.matmul %max3A_31, %get3A_34, %dot_general3A {dimension_numbers = #tpu.dot_dimension_numbers<[1], [0], [0], [1], [0, 0, 1, 1], [], []>, transpose_lhs_hint = false} : vector<1000x128xf32>, vector<128x64xf32>, vector<1000x64xf32> -> vector<1000x64xf32>
    %mul3A_36 = vector.broadcast %get3A_1 : vector<1000x1xf32> to vector<1000x64xf32>
    %mul3A_37 = arith.mulf %dot_general3A_35, %mul3A_36 : vector<1000x64xf32>
    %slice3A = vector.extract_strided_slice %mul3A_37 {offsets = [0, 0], sizes = [1000, 32], strides = [1, 1]} : vector<1000x64xf32> to vector<1000x32xf32>
    %swap3A = arith.constant 0 : index
    %swap3A_38 = arith.constant 0 : index
    %swap3A_39 = arith.constant 0 : index
    %swap3A_40 = vector.load %arg6[%swap3A, %swap3A_38, %swap3A_39] : memref<2x1000x32xf32, #tpu.memory_space<vmem>>, vector<1x1000x32xf32>
    %swap3A_41 = vector.shape_cast %swap3A_40 : vector<1x1000x32xf32> to vector<1000x32xf32>
    %swap3A_42 = vector.shape_cast %slice3A : vector<1000x32xf32> to vector<1x1000x32xf32>
    tpu.vector_store %arg6[%swap3A, %swap3A_38, %swap3A_39], %swap3A_42 {strides = array<i32>} : memref<2x1000x32xf32, #tpu.memory_space<vmem>>, vector<1x1000x32xf32>,
    %slice3A_43 = vector.extract_strided_slice %mul3A_37 {offsets = [0, 32], sizes = [1000, 32], strides = [1, 1]} : vector<1000x64xf32> to vector<1000x32xf32>
    %swap3A_44 = arith.constant 1 : index
    %swap3A_45 = arith.constant 0 : index
    %swap3A_46 = arith.constant 0 : index
    %swap3A_47 = vector.load %arg6[%swap3A_44, %swap3A_45, %swap3A_46] : memref<2x1000x32xf32, #tpu.memory_space<vmem>>, vector<1x1000x32xf32>
    %swap3A_48 = vector.shape_cast %swap3A_47 : vector<1x1000x32xf32> to vector<1000x32xf32>
    %swap3A_49 = vector.shape_cast %slice3A_43 : vector<1000x32xf32> to vector<1x1000x32xf32>
    tpu.vector_store %arg6[%swap3A_44, %swap3A_45, %swap3A_46], %swap3A_49 {strides = array<i32>} : memref<2x1000x32xf32, #tpu.memory_space<vmem>>, vector<1x1000x32xf32>,
    return
  }
  func.func @transform_0(%arg0: i32) -> (i32, i32) {
    %c0_i32 = arith.constant 0 : i32
    %c0_i32_0 = arith.constant 0 : i32
    return %arg0, %c0_i32 : i32, i32
  }
  func.func @transform_1(%arg0: i32) -> (i32, i32, i32) {
    %c0_i32 = arith.constant 0 : i32
    %c0_i32_0 = arith.constant 0 : i32
    %c0_i32_1 = arith.constant 0 : i32
    return %c0_i32, %arg0, %c0_i32_0 : i32, i32, i32
  }
  func.func @transform_2(%arg0: i32) -> (i32, i32, i32) {
    %c0_i32 = arith.constant 0 : i32
    %c0_i32_0 = arith.constant 0 : i32
    %c0_i32_1 = arith.constant 0 : i32
    return %c0_i32, %arg0, %c0_i32_0 : i32, i32, i32
  }
  func.func @transform_3(%arg0: i32) -> (i32, i32) {
    %c0_i32 = arith.constant 0 : i32
    %c0_i32_0 = arith.constant 0 : i32
    %c0_i32_1 = arith.constant 0 : i32
    return %c0_i32, %c0_i32_0 : i32, i32
  }
  func.func @transform_4(%arg0: i32) -> (i32, i32) {
    %c0_i32 = arith.constant 0 : i32
    %c0_i32_0 = arith.constant 0 : i32
    %c0_i32_1 = arith.constant 0 : i32
    return %c0_i32, %c0_i32_0 : i32, i32
  }
  func.func @transform_5(%arg0: i32) -> (i32, i32, i32) {
    %c0_i32 = arith.constant 0 : i32
    %c0_i32_0 = arith.constant 0 : i32
    %c0_i32_1 = arith.constant 0 : i32
    return %c0_i32, %arg0, %c0_i32_0 : i32, i32, i32
  }
}

module attributes {stable_mosaic.version = 14 : i64} {
  func.func @_tc3_body(%arg0: i32, %arg1: memref<1000x1xf32, #tpu.memory_space<vmem>>, %arg2: memref<2x1000x32xf32, #tpu.memory_space<vmem>>, %arg3: memref<2x1000x32xf32, #tpu.memory_space<vmem>>, %arg4: memref<1x64xf32, #tpu.memory_space<vmem>>, %arg5: memref<1000x64xf32, #tpu.memory_space<vmem>>) attributes {dimension_semantics = [#tpu.dimension_semantics<arbitrary>], iteration_bounds = array<i64: 10>, scalar_prefetch = 0 : i64, scratch_operands = 0 : i64, tpu.core_type = #tpu.core_type<tc>, window_params = [{transform_indices = @transform_0, window_bounds = array<i64: 1000, 1>}, {transform_indices = @transform_1, window_bounds = array<i64: 2, 1000, 32>}, {transform_indices = @transform_2, window_bounds = array<i64: 2, 1000, 32>}, {pipeline_mode = #tpu.pipeline_mode<synchronous>, transform_indices = @transform_3, window_bounds = array<i64: 1, 64>}, {transform_indices = @transform_4, window_bounds = array<i64: 1000, 64>}]} {
    %get3A = arith.constant 0 : index
    %get3A_0 = arith.constant 0 : index
    %get3A_1 = vector.load %arg1[%get3A, %get3A_0] : memref<1000x1xf32, #tpu.memory_space<vmem>>, vector<1000x1xf32>
    %get3A_2 = arith.constant 0 : index
    %get3A_3 = arith.constant 0 : index
    %get3A_4 = arith.constant 0 : index
    %get3A_5 = vector.load %arg2[%get3A_2, %get3A_3, %get3A_4] : memref<2x1000x32xf32, #tpu.memory_space<vmem>>, vector<1x1000x32xf32>
    %get3A_6 = vector.shape_cast %get3A_5 : vector<1x1000x32xf32> to vector<1000x32xf32>
    %get3A_7 = arith.constant 1 : index
    %get3A_8 = arith.constant 0 : index
    %get3A_9 = arith.constant 0 : index
    %get3A_10 = vector.load %arg2[%get3A_7, %get3A_8, %get3A_9] : memref<2x1000x32xf32, #tpu.memory_space<vmem>>, vector<1x1000x32xf32>
    %get3A_11 = vector.shape_cast %get3A_10 : vector<1x1000x32xf32> to vector<1000x32xf32>
    %concatenate3A = tpu.concatenate %get3A_6, %get3A_11 in 1 : vector<1000x32xf32>, vector<1000x32xf32> -> vector<1000x64xf32>
    %get3A_12 = arith.constant 0 : index
    %get3A_13 = arith.constant 0 : index
    %get3A_14 = arith.constant 0 : index
    %get3A_15 = vector.load %arg3[%get3A_12, %get3A_13, %get3A_14] : memref<2x1000x32xf32, #tpu.memory_space<vmem>>, vector<1x1000x32xf32>
    %get3A_16 = vector.shape_cast %get3A_15 : vector<1x1000x32xf32> to vector<1000x32xf32>
    %get3A_17 = arith.constant 1 : index
    %get3A_18 = arith.constant 0 : index
    %get3A_19 = arith.constant 0 : index
    %get3A_20 = vector.load %arg3[%get3A_17, %get3A_18, %get3A_19] : memref<2x1000x32xf32, #tpu.memory_space<vmem>>, vector<1x1000x32xf32>
    %get3A_21 = vector.shape_cast %get3A_20 : vector<1x1000x32xf32> to vector<1000x32xf32>
    %concatenate3A_22 = tpu.concatenate %get3A_16, %get3A_21 in 1 : vector<1000x32xf32>, vector<1000x32xf32> -> vector<1000x64xf32>
    %add3A = arith.addf %concatenate3A, %concatenate3A_22 : vector<1000x64xf32>
    %mul3A = vector.broadcast %get3A_1 : vector<1000x1xf32> to vector<1000x64xf32>
    %mul3A_23 = arith.mulf %add3A, %mul3A : vector<1000x64xf32>
    %get3A_24 = arith.constant 0 : index
    %get3A_25 = arith.constant 0 : index
    %get3A_26 = vector.load %arg4[%get3A_24, %get3A_25] : memref<1x64xf32, #tpu.memory_space<vmem>>, vector<1x64xf32>
    %get3A_27 = vector.shape_cast %get3A_26 : vector<1x64xf32> to vector<64xf32>
    %broadcast_in_dim3A = vector.shape_cast %get3A_27 : vector<64xf32> to vector<1x64xf32>
    %add3A_28 = vector.broadcast %broadcast_in_dim3A : vector<1x64xf32> to vector<1000x64xf32>
    %add3A_29 = arith.addf %mul3A_23, %add3A_28 : vector<1000x64xf32>
    %reduce_max3A = arith.constant dense<0xFF800000> : vector<1000xf32>
    %reduce_max3A_30 = vector.multi_reduction <maximumf>, %add3A_29, %reduce_max3A [1] : vector<1000x64xf32> to vector<1000xf32>
    %broadcast_in_dim3A_31 = vector.shape_cast %reduce_max3A_30 : vector<1000xf32> to vector<1000x1xf32>
    %sub3A = vector.broadcast %broadcast_in_dim3A_31 : vector<1000x1xf32> to vector<1000x64xf32>
    %sub3A_32 = arith.subf %add3A_29, %sub3A : vector<1000x64xf32>
    %exp3A = math.exp %sub3A_32 : vector<1000x64xf32>
    %reduce_sum3A = arith.constant dense<0.000000e+00> : vector<1000xf32>
    %reduce_sum3A_33 = vector.multi_reduction <add>, %exp3A, %reduce_sum3A [1] : vector<1000x64xf32> to vector<1000xf32>
    %broadcast_in_dim3A_34 = vector.shape_cast %reduce_sum3A_33 : vector<1000xf32> to vector<1000x1xf32>
    %log3A = math.log %broadcast_in_dim3A_34 : vector<1000x1xf32>
    %sub3A_35 = vector.broadcast %log3A : vector<1000x1xf32> to vector<1000x64xf32>
    %sub3A_36 = arith.subf %sub3A_32, %sub3A_35 : vector<1000x64xf32>
    %swap3A = arith.constant 0 : index
    %swap3A_37 = arith.constant 0 : index
    %swap3A_38 = vector.load %arg5[%swap3A, %swap3A_37] : memref<1000x64xf32, #tpu.memory_space<vmem>>, vector<1000x64xf32>
    tpu.vector_store %arg5[%swap3A, %swap3A_37], %sub3A_36 {strides = array<i32>} : memref<1000x64xf32, #tpu.memory_space<vmem>>, vector<1000x64xf32>,
    return
  }
  func.func @transform_0(%arg0: i32) -> (i32, i32) {
    %c0_i32 = arith.constant 0 : i32
    %c0_i32_0 = arith.constant 0 : i32
    return %arg0, %c0_i32 : i32, i32
  }
  func.func @transform_1(%arg0: i32) -> (i32, i32, i32) {
    %c0_i32 = arith.constant 0 : i32
    %c0_i32_0 = arith.constant 0 : i32
    %c0_i32_1 = arith.constant 0 : i32
    return %c0_i32, %arg0, %c0_i32_0 : i32, i32, i32
  }
  func.func @transform_2(%arg0: i32) -> (i32, i32, i32) {
    %c0_i32 = arith.constant 0 : i32
    %c0_i32_0 = arith.constant 0 : i32
    %c0_i32_1 = arith.constant 0 : i32
    return %c0_i32, %arg0, %c0_i32_0 : i32, i32, i32
  }
  func.func @transform_3(%arg0: i32) -> (i32, i32) {
    %c0_i32 = arith.constant 0 : i32
    %c0_i32_0 = arith.constant 0 : i32
    %c0_i32_1 = arith.constant 0 : i32
    return %c0_i32, %c0_i32_0 : i32, i32
  }
  func.func @transform_4(%arg0: i32) -> (i32, i32) {
    %c0_i32 = arith.constant 0 : i32
    %c0_i32_0 = arith.constant 0 : i32
    return %arg0, %c0_i32 : i32, i32
  }
}

</mosaic_0001>

<sc_bundles>
// kernel: kernel.11.cloned.1.call-start
scs
__scs_entry_jumppad:
0x0: {  	(pc) =	sbr.rel $0x88, $3  }
0x1: {  	(tag) =	ssettag $0x0;
	lr =	simm.s32 $0x1  }
0x2: {  	[smem:$0x3F9B] =	sst lr;
	_ =	strace $0xD0000000  }
0x3: {  	_ = 	snop  }
0x4: {  	_ = 	snop  }
0x5: {  	_ = 	snop  }
0x6: {  	_ = 	snop  }
0x7: {  	_ = 	snop  }
__scs_overlays_trampoline_lowered:
0x8: {  	[smem:$0x3FAA] =	sst s0  }
0x9: {  	[smem:$0x3FAB] =	sst s1  }
0xa: {  	[smem:$0x3FAC] =	sst s2  }
0xb: {  	[smem:$0x3FAD] =	sst s3  }
0xc: {  	[smem:$0x3FAE] =	sst s4  }
0xd: {  	[smem:$0x3FAF] =	sst s5  }
0xe: {  	[smem:$0x3FB0] =	sst s6  }
0xf: {  	[smem:$0x3FB1] =	sst s7  }
0x10: {  	[smem:$0x3FB2] =	sst s8  }
0x11: {  	[smem:$0x3FB3] =	sst s9;
	s0 =	simm.s32 @!p0 $0x0  }
0x12: {  	s1 =	sld [smem:$0x3F99];
	s0 =	simm.s32 @p0 $0x1  }
0x13: {  	[smem:$0x3FB4] =	sst s0;
	s0 =	simm.s32 @!p1 $0x0  }
0x14: {  	s2 =	sld [smem:$0x3F98];
	s0 =	simm.s32 @p1 $0x1  }
0x15: {  	[smem:$0x3FB5] =	sst s0;
	s0 =	simm.s32 @!p2 $0x0  }
0x16: {  	s3 =	sld [smem:$0x3FDB];
	s0 =	simm.s32 @p2 $0x1  }
0x17: {  	s4 =	simm.s32 $0x1BF5;
	[smem:$0x3FB7] =	sst s0  }
0x18: {  	s0 =	sld [smem:$0x3F9A];
	_ =	swait.ge [sflag:s4], $0x0  }
0x19: {  	s7 =	sld [smem:$0x3F9B]  }
0x1a: {  	s8 =	sadd.s32 $0xFFFFE003, lr  }
0x1b: {  	s9 =	sadd.s32 $0xFFFFFEF7, lr;
	s5 =	simm.s32 $0xFFFFFFFF;
	p2 =	slt.u32 s8, $0xFFFFF086  }
0x1c: {  	p1 =	slt.u32 s9, $0xF7A;
	s5 =	simm.s32 @!p2 $0x0  }
0x1d: {  	s5 =	simm.s32 @p1 $0x1;
	p0 =	seq.s32 s7, s2  }
0x1e: {  	s7 =	smul.u32 @!p0 $0xF7A, s2;
	p2 =	seq.s32 @!p0 s5, $0x0  }
0x1f: {  	s9 =	smul.u32 $0xF7A, s1;
	s8 =	simm.s32 @!p0 $0x1BF5;
	p2 =	por !p2, p0  }
0x20: {  	[sflag:s8] =	ssyncset.s32 @!p0 $0xFFFFF086;
	s6 =	sadd.s32 @!p0 s3, s7;
	s7 =	simm.s32 @!p0 $0x108  }
0x21: {  	s3 =	sadd.s32 s3, s9;
	s6 =	sadd.s32 @!p0 $0x88, s6;
	s7 =	simm.s32 @p2 $0x1082  }
0x22: {  	[simem:s7], [sflag:s8] =	dma.local @!p0 [hbm:s6], $0xF7A  }
0x23: {  	s9 =	sor.u32 $0xD0000000, s2;
	s6 =	simm.s32 $0x108;
	_ =	swait.ge @!p0 [sflag:s8], $0x0  }
0x24: {  	s3 =	sadd.s32 $0x88, s3;
	s6 =	simm.s32 @!p1 $0x1082;
	[sflag:s4] =	ssyncset.s32 $0xFFFFF086  }
0x25: {  	[simem:s6], [sflag:s4] =	dma.local [hbm:s3], $0xF7A  }
0x26: {  	[smem:$0x3F9B] =	sst s1;
	(tag) =	ssettag s2;
	_ =	strace s9  }
0x27: {  	s1 =	sld [smem:$0x3FAB]  }
0x28: {  	s2 =	sld [smem:$0x3FAC]  }
0x29: {  	s4 =	sld [smem:$0x3FAE]  }
0x2a: {  	p0 =	seq.s32 s5, $0x0;
	s5 =	sld [smem:$0x3FAF]  }
0x2b: {  	s6 =	sld [smem:$0x3FB0]  }
0x2c: {  	s7 =	sld [smem:$0x3FB1]  }
0x2d: {  	s3 =	simm.s32 $0x108;
	s8 =	sld [smem:$0x3FB2]  }
0x2e: {  	s3 =	simm.s32 @!p0 $0x1082;
	s9 =	sld [smem:$0x3FB3]  }
0x2f: {  	lr =	sadd.s32 s0, s3;
	s0 =	sld [smem:$0x3FAA]  }
0x30: {  	s3 =	sld [smem:$0x3FAD]  }
0x31: {  	[smem:$0x3FB6] =	sst s10  }
0x32: {  	s10 =	sld [smem:$0x3FB4];
	_ =	sdelay $0x3  }
0x33: {  	p0 =	seq.s32 s10, $0x1;
	s10 =	sld [smem:$0x3FB6];
	_ =	sdelay $0x3  }
0x34: {  	[smem:$0x3FB6] =	sst s10  }
0x35: {  	s10 =	sld [smem:$0x3FB5];
	_ =	sdelay $0x3  }
0x36: {  	p1 =	seq.s32 s10, $0x1;
	s10 =	sld [smem:$0x3FB6];
	_ =	sdelay $0x3  }
0x37: {  	[smem:$0x3FB6] =	sst s10  }
0x38: {  	s10 =	sld [smem:$0x3FB7]  }
0x39: {  	_ = 	snop;
	(pc) =	sbr.ind lr, $3  }
0x3a: {  	_ = 	snop  }
0x3b: {  	_ = 	snop  }
0x3c: {  	p2 =	seq.s32 s10, $0x1;
	s10 =	sld [smem:$0x3FB6]  }
0x3d: {  	_ =	shalt  }
0x3e: {  	_ =	shalt  }
0x3f: {  	_ =	shalt  }
0x40: {  	_ =	shalt  }
0x41: {  	_ =	shalt  }
0x42: {  	_ =	shalt  }
0x43: {  	_ =	shalt  }
0x44: {  	_ =	shalt  }
0x45: {  	_ =	shalt  }
0x46: {  	_ =	shalt  }
0x47: {  	_ =	shalt  }
0x48: {  	_ =	shalt  }
0x49: {  	_ =	shalt  }
0x4a: {  	_ =	shalt  }
0x4b: {  	_ =	shalt  }
0x4c: {  	_ =	shalt  }
0x4d: {  	_ =	shalt  }
0x4e: {  	_ =	shalt  }
0x4f: {  	_ =	shalt  }
0x50: {  	_ =	shalt  }
0x51: {  	_ =	shalt  }
0x52: {  	_ =	shalt  }
0x53: {  	_ =	shalt  }
0x54: {  	_ =	shalt  }
0x55: {  	_ =	shalt  }
0x56: {  	_ =	shalt  }
0x57: {  	_ =	shalt  }
0x58: {  	_ =	shalt  }
0x59: {  	_ =	shalt  }
0x5a: {  	_ =	shalt  }
0x5b: {  	_ =	shalt  }
0x5c: {  	_ =	shalt  }
0x5d: {  	_ =	shalt  }
0x5e: {  	_ =	shalt  }
0x5f: {  	_ =	shalt  }
0x60: {  	_ =	shalt  }
0x61: {  	_ =	shalt  }
0x62: {  	_ =	shalt  }
0x63: {  	_ =	shalt  }
0x64: {  	_ =	shalt  }
0x65: {  	_ =	shalt  }
0x66: {  	_ =	shalt  }
0x67: {  	_ =	shalt  }
0x68: {  	_ =	shalt  }
0x69: {  	_ =	shalt  }
0x6a: {  	_ =	shalt  }
0x6b: {  	_ =	shalt  }
0x6c: {  	_ =	shalt  }
0x6d: {  	_ =	shalt  }
0x6e: {  	_ =	shalt  }
0x6f: {  	_ =	shalt  }
0x70: {  	_ =	shalt  }
0x71: {  	_ =	shalt  }
0x72: {  	_ =	shalt  }
0x73: {  	_ =	shalt  }
0x74: {  	_ =	shalt  }
0x75: {  	_ =	shalt  }
0x76: {  	_ =	shalt  }
0x77: {  	_ =	shalt  }
0x78: {  	_ =	shalt  }
0x79: {  	_ =	shalt  }
0x7a: {  	_ =	shalt  }
0x7b: {  	_ =	shalt  }
0x7c: {  	_ =	shalt  }
0x7d: {  	_ =	shalt  }
0x7e: {  	_ =	shalt  }
0x7f: {  	_ =	shalt  }
0x80: {  	_ =	shalt  }
0x81: {  	_ =	shalt  }
0x82: {  	_ =	shalt  }
0x83: {  	_ =	shalt  }
0x84: {  	_ =	shalt  }
0x85: {  	_ =	shalt  }
0x86: {  	_ =	shalt  }
0x87: {  	_ =	shalt  }
.Lfunc_end0:
.L_simem_size_0:
called_computation.1_lowered:
.L_overlay_start_0:
0x88: {  	s2 =	sld [smem:$0x3FD9]  }
0x89: {  	s3 =	sld [smem:$0x3FFE];
	_ =	sdelay $0x1  }
0x8a: {  	s1 =	srdreg.scid  }
0x8b: {  	s0 =	sand.u32 $0x1, s1  }
0x8c: {  	s17 =	sshll.u32 s0, $0xA;
	s2 =	sadd.s32 s3, s2  }
0x8d: {  	s2 =	sadd.s32 s2, s17  }
0x8e: {  	[smem:$0x3FC2] =	sst s2  }
0x8f: {  	_ = 	snop  }
0x90: {  	s2 =	sld [smem:$0x3FD0];
	(tm) =	ssettm $0x1  }
0x91: {  	s18 =	sld [smem:$0x3FFB];
	_ =	sdelay $0x3  }
0x92: {  	_ =	strace s18  }
0x93: {  	s3 =	sld [smem:$0x3FFC];
	_ =	sdelay $0x3  }
0x94: {  	_ =	strace s3  }
0x95: {  	s3 =	sld [smem:$0x3FFD];
	_ =	sdelay $0x3  }
0x96: {  	_ =	strace s3  }
0x97: {  	_ =	strace $0x8FFFFFFF  }
0x98: {  	s19 =	sld [smem:$0x3FDB];
	_ =	sdelay $0x1  }
0x99: {  	s4 =	simm.s32 $_scs_section_size  }
0x9a: {  	s5 =	simm.s32 $_size__tile_overlayer_lowered;
	s6 =	simm.s32 $_tile_overlayer_lowered  }
0x9b: {  	s22 =	simm.s32 $0x1BFF;
	s21 =	sshll.u32 s6, $0x1;
	s3 =	sadd.s32 s4, s19  }
0x9c: {  	s7 =	simm.s32 $0x0;
	s20 =	sshll.u32 s5, $0x1;
	s5 =	sadd.s32 s21, s3  }
0x9d: {  	[timem:s7], [sflag:s22] =	dma.local [hbm:s5], s20  }
0x9e: {  	_ =	swait.ge [sflag:s22], s20  }
0x9f: {  	s4 =	ssub.s32 $0x0, s20;
	[sflag:s22] =	ssyncset.done $0x0  }
0xa0: {  	[sflag:s22] =	ssyncadd.s32 s4;
	_ =	sdelay $0x1  }
0xa1: {  	s23 =	simm.s32 $0x1B8B  }
0xa2: {  	_ =	swait.ge [sflag:s23], $0x1  }
0xa3: {  	[sflag:s23] =	ssyncset.done $0x0  }
0xa4: {  	s25 =	simm.s32 $0x1B8E;
	s24 =	sld [smem:$0x3FFE];
	[sflag:s23] =	ssyncadd.s32 $0xFFFFFFFF  }
0xa5: {  	s26 =	simm.s32 $execute0_lowered;
	[smem:$0x3FD2] =	sst s25  }
0xa6: {  	s5 =	sshll.u32 s26, $0x1;
	_ =	strace $0x80000049;
	[dreg:$0x1] =	wrdreg $0xFFFFFFFF  }
0xa7: {  	s28 =	simm.s32 $_size_execute0_lowered;
	s3 =	sadd.s32 s3, s5;
	[dreg:$0x0] =	wrdreg $0x0  }
0xa8: {  	s5 =	sshll.u32 s28, $0x1;
	[dreg:$0x2] =	wrdreg s3  }
0xa9: {  	[dreg:$0x3] =	wrdreg s5  }
0xaa: {  	[dreg:$0x4] =	wrdreg $0xC0  }
0xab: {  	_ =	task [dreg:s7], $0x5FFFF  }
0xac: {  	[dreg:$0x1] =	wrdreg $0xFFFFFFFF  }
0xad: {  	[dreg:$0x0] =	wrdreg $0x60  }
0xae: {  	[dreg:$0x2] =	wrdreg s24  }
0xaf: {  	[dreg:$0x3] =	wrdreg s2  }
0xb0: {  	[dreg:$0x4] =	wrdreg $0x160C00  }
0xb1: {  	[dreg:$0x5] =	wrdreg $0xC4400  }
0xb2: {  	[dreg:$0x6] =	wrdreg $0x9  }
0xb3: {  	_ =	task.clear_ibuf [dreg:s7], $0x7FFFF;
	_ =	strace $0x90000049  }
0xb4: {  	s29 =	simm.s32 $0x9;
	_ =	strace $0x8000004B  }
0xb5: {  	_ =	swait.ge [sflag:s29], $0x1  }
0xb6: {  	[sflag:s29] =	ssyncadd.s32 $0xFFFFFFFF  }
0xb7: {  	_ =	strace $0x9000004B  }
0xb8: {  	_ =	sfence  }
0xb9: {  	s30 =	sld [smem:$0x0];
	_ =	sdelay $0x2  }
0xba: {  	s31 =	sshll.u32 s1, $0xD;
	s1 =	sshrl.u32 s1, $0x2  }
0xbb: {  	s3 =	sand.u32 $0x4000, s31;
	s1 =	sadd.s32 s1, s30  }
0xbc: {  	s0 =	sor.u32 s3, s0;
	s1 =	sshll.u32 s1, $0x11  }
0xbd: {  	s0 =	sor.u32 s1, s0  }
0xbe: {  	s0 =	sadd.s32 $0x8F2B, s0  }
0xbf: {  	[sflag:s0] =	ssyncadd.remote.s32 $0x1  }
0xc0: {  	_ =	sfence.sel $0xFFFF  }
0xc1: {  	[dreg:$0x0] =	wrdreg $0xFFFFFFFF;
	(pc) =	sbr.abs _section_cstart, $3  }
0xc2: {  	[dreg:$0x1] =	wrdreg $0xFFFFFFFF  }
0xc3: {  	_ =	task.clear_ibuf [dreg:s7], $0x2FFFF;
	_ =	strace $0x9FFFFFFF  }
0xc4: {  	(tm) =	ssettm $0x7FFFFFFF  }
0xc5: {  	_ =	shalt  }
tec
execute0_lowered:
.L_overlay_start_1:
0x0: {  	(tag) =	ssettag $0x1  }
0x1: {  	s5 =	rddreg [dreg:$0x0]  }
0x2: {  	s6 =	rddreg [dreg:$0x1]  }
0x3: {  	s1 =	srdreg.scid;
	s2 =	rddreg [dreg:$0x2]  }
0x4: {  	s0 =	stileid.u32;
	s3 =	rddreg [dreg:$0x3];
	s4 =	simm.s32 $0x0  }
0x5: {  	s15 =	simm.s32 $0x4E20;
	s16 =	simm.s32 $0x50;
	s17 =	simm.s32 $0x9C40  }
0x6: {  	s18 =	simm.s32 $0x1;
	s19 =	simm.s32 $0xB040;
	s20 =	simm.s32 $0x2  }
0x7: {  	s21 =	simm.s32 $0x4DD0;
	s22 =	simm.s32 $0x9BA0;
	s8 =	smul.u32 $0x9C80, s0  }
0x8: {  	s23 =	simm.s32 $0x9BF0;
	s7 =	sand.u32 $0x1, s1;
	s11 =	smul.u32 $0x9C4, s0  }
0x9: {  	s24 =	simm.s32 $0x0;
	s1 =	rddreg [dreg:$0x4];
	s9 =	smul.u32 $0xA0000, s7  }
0xa: {  	[smem:$0x7FF] =	sst s4;
	s10 =	smul.u32 $0x9C800, s7;
	s7 =	ssub.s32 $0x2, s7  }
0xb: {  	s31 =	sshll.u32 s0, $0x6;
	_ =	strace $0x8000004A;
	s12 =	sshrl.u32 s7, $0x1  }
0xc: {  	s11 =	sadd.s32 s11, s5;
	s13 =	sadd.s32 s8, s2;
	s30 =	sshrl.u32 s8, $0x3  }
0xd: {  	s14 =	sadd.s32 s8, s3;
	s9 =	sadd.s32 s8, s9;
	s10 =	sadd.s32 s8, s10  }
0xe: {  	s12 =	ssub.s32 s7, s12;
	s8 =	sadd.s32 $0x2200, s11;
	s9 =	sshrl.u32 s9, $0x3  }
0xf: {  	s14 =	sshrl.u32 s14, $0x3;
	s10 =	sshrl.u32 s10, $0x3;
	s9 =	sadd.s32 s9, s5  }
0x10: {  	s10 =	sadd.s32 s10, s5;
	s5 =	sadd.s32 s6, s30;
	s6 =	sor.u32 $0x1C03, s31  }
0x11: {  	s7 =	sadd.s32 $0x8DE00, s9;
	s9 =	sadd.s32 $0xC000, s11;
	s10 =	sadd.s32 $0xB5E00, s10  }
0x12: {  	s11 =	smax.u32 s12, $0x1;
	s12 =	sshrl.u32 s13, $0x3;
	s13 =	simm.s32 $0x3  }
.LBB2_1:
0x13: {  	[spmem:s12], [sflag:s6] =	dma.local [hbm:s5], $0x1390  }
0x14: {  	_ =	swait.ge [sflag:s13], $0x1390  }
0x15: {  	[sflag:s13] =	ssyncset.done $0x0  }
0x16: {  	[sflag:s13] =	ssyncadd.s32 $0xFFFFEC70  }
0x17: {  	[spmem:s14], [sflag:s6] =	dma.local [hbm:s7], $0x1390  }
0x18: {  	_ =	swait.ge [sflag:s13], $0x1390  }
0x19: {  	[sflag:s13] =	ssyncset.done $0x0  }
0x1a: {  	[sflag:s13] =	ssyncadd.s32 $0xFFFFEC70  }
0x1b: {  	[tilespmem:s4], [sflag:$0x3] =	stream.linear.gather [hbm4b:s8+s4], $0x4E20, $0x38;
	[tilespmem:$0x1FD40] =	vst v63  }
0x1c: {  	_ =	swait.ge [sflag:s13], $0x4E20  }
0x1d: {  	[sflag:s13] =	ssyncset.done $0x0  }
0x1e: {  	[sflag:s13] =	ssyncadd.s32 $0xFFFFB1E0  }
0x1f: {  	[tilespmem:s15], [sflag:$0x3] =	stream.linear.gather [hbm4b:s9+s4], $0x4E20, $0x38;
	[tilespmem:$0x1FD40] =	vst v63  }
0x20: {  	_ =	swait.ge [sflag:s13], $0x4E20  }
0x21: {  	[sflag:s13] =	ssyncset.done $0x0  }
0x22: {  	[sflag:s13] =	ssyncadd.s32 $0xFFFFB1E0  }
0x23: {  	[bflag:$0x0] =	sbarrier.arrive $0xFFFF  }
0x24: {  	[tilespmem:s17], [sflag:$0x1] =	stream.indirect.gather [spmem:s3], $0x40, s4, s16, $0xb8;
	[tilespmem:$0x1FD40] =	vst v63  }
0x25: {  	_ =	swait.ge [sflag:s18], $0x1400  }
0x26: {  	[sflag:s18] =	ssyncset.done $0x0  }
0x27: {  	s25 =	simm.s32 $0x50;
	[sflag:s18] =	ssyncadd.s32 $0xFFFFEC00  }
0x28: {  	[tilespmem:s19], [sflag:$0x2] =	stream.indirect.gather [spmem:s3], $0x40, s25, s16, $0xb8;
	[tilespmem:$0x1FD40] =	vst v63  }
0x29: {  	s29 =	simm.s32 $0x4E20  }
0x2a: {  	[spmem:s2] =	stream.indirect.scatter.add.f32 [tilespmem:s17], [sflag:$0x3], $0x40, s29, s16, $0xb8;
	[tilespmem:$0x1FD40] =	vst v63  }
0x2b: {  	_ =	swait.ge [sflag:s13], $0x1400  }
0x2c: {  	[sflag:s13] =	ssyncset.done $0x0  }
0x2d: {  	[sflag:s13] =	ssyncadd.s32 $0xFFFFEC00  }
0x2e: {  	_ =	swait.ge [sflag:s20], $0x1400  }
0x2f: {  	[sflag:s20] =	ssyncset.done $0x0  }
0x30: {  	s30 =	simm.s32 $0xA0;
	[sflag:s20] =	ssyncadd.s32 $0xFFFFEC00  }
0x31: {  	[tilespmem:s17], [sflag:$0x1] =	stream.indirect.gather [spmem:s3], $0x40, s30, s16, $0xb8;
	[tilespmem:$0x1FD40] =	vst v63  }
0x32: {  	s31 =	simm.s32 $0x4E70  }
0x33: {  	[spmem:s2] =	stream.indirect.scatter.add.f32 [tilespmem:s19], [sflag:$0x3], $0x40, s31, s16, $0xb8;
	[tilespmem:$0x1FD40] =	vst v63  }
0x34: {  	_ =	swait.ge [sflag:s13], $0x1400  }
0x35: {  	s25 =	simm.s32 $0x280;
	[sflag:s13] =	ssyncset.done $0x0  }
.LBB2_2:
0x36: {  	p0 =	sne.s32 s25, $0x13380  }
0x37: {  	[sflag:s13] =	ssyncadd.s32 $0xFFFFEC00;
	s26 =	smov.u32 s25;
	s25 =	sadd.s32 $0x280, s25  }
0x38: {  	_ = 	snop  }
0x39: {  	_ =	swait.ge [sflag:s18], $0x1400  }
0x3a: {  	s26 =	sshra.s32 s26, $0x2;
	[sflag:s18] =	ssyncset.done $0x0  }
0x3b: {  	s28 =	sadd.s32 $0x50, s26;
	[sflag:s18] =	ssyncadd.s32 $0xFFFFEC00  }
0x3c: {  	[tilespmem:s19], [sflag:$0x2] =	stream.indirect.gather [spmem:s3], $0x40, s28, s16, $0xb8;
	[tilespmem:$0x1FD40] =	vst v63  }
0x3d: {  	s28 =	sadd.s32 $0x4E20, s26  }
0x3e: {  	[spmem:s2] =	stream.indirect.scatter.add.f32 [tilespmem:s17], [sflag:$0x3], $0x40, s28, s16, $0xb8;
	[tilespmem:$0x1FD40] =	vst v63  }
0x3f: {  	_ =	swait.ge [sflag:s13], $0x1400  }
0x40: {  	[sflag:s13] =	ssyncset.done $0x0  }
0x41: {  	[sflag:s13] =	ssyncadd.s32 $0xFFFFEC00  }
0x42: {  	_ =	swait.ge [sflag:s20], $0x1400  }
0x43: {  	[sflag:s20] =	ssyncset.done $0x0  }
0x44: {  	s28 =	sadd.s32 $0xA0, s26;
	[sflag:s20] =	ssyncadd.s32 $0xFFFFEC00  }
0x45: {  	[tilespmem:s17], [sflag:$0x1] =	stream.indirect.gather [spmem:s3], $0x40, s28, s16, $0xb8;
	[tilespmem:$0x1FD40] =	vst v63  }
.Ltmp0:
0x46: {  	_ = 	snop;
	(pc) =	sbr.rel @p0 .LBB2_2-.Ltmp0, $4  }
0x47: {  	s26 =	sadd.s32 $0x4E70, s26  }
0x48: {  	[spmem:s2] =	stream.indirect.scatter.add.f32 [tilespmem:s19], [sflag:$0x3], $0x40, s26, s16, $0xb8;
	[tilespmem:$0x1FD40] =	vst v63  }
0x49: {  	_ =	swait.ge [sflag:s13], $0x1400  }
0x4a: {  	[sflag:s13] =	ssyncset.done $0x0  }
0x4b: {  	[sflag:s13] =	ssyncadd.s32 $0xFFFFEC00  }
0x4c: {  	_ =	swait.ge [sflag:s18], $0x1400  }
0x4d: {  	[sflag:s18] =	ssyncset.done $0x0  }
0x4e: {  	[sflag:s18] =	ssyncadd.s32 $0xFFFFEC00  }
0x4f: {  	[tilespmem:s19], [sflag:$0x2] =	stream.indirect.gather [spmem:s3], $0x40, s21, s16, $0xb8;
	[tilespmem:$0x1FD40] =	vst v63  }
0x50: {  	_ = 	snop  }
0x51: {  	[spmem:s2] =	stream.indirect.scatter.add.f32 [tilespmem:s17], [sflag:$0x3], $0x40, s22, s16, $0xb8;
	[tilespmem:$0x1FD40] =	vst v63  }
0x52: {  	_ =	swait.ge [sflag:s13], $0x1400  }
0x53: {  	[sflag:s13] =	ssyncset.done $0x0  }
0x54: {  	[sflag:s13] =	ssyncadd.s32 $0xFFFFEC00  }
0x55: {  	_ =	swait.ge [sflag:s20], $0x1400  }
0x56: {  	[sflag:s20] =	ssyncset.done $0x0  }
0x57: {  	[sflag:s20] =	ssyncadd.s32 $0xFFFFEC00  }
0x58: {  	[tilespmem:s17], [sflag:$0x1] =	stream.indirect.gather [spmem:s3], $0x40, s21, s16, $0xb8;
	[tilespmem:$0x1FD40] =	vst v63  }
0x59: {  	_ = 	snop  }
0x5a: {  	[spmem:s2] =	stream.indirect.scatter.add.f32 [tilespmem:s19], [sflag:$0x3], $0x40, s23, s16, $0xb8;
	[tilespmem:$0x1FD40] =	vst v63  }
0x5b: {  	_ =	swait.ge [sflag:s13], $0x1400  }
0x5c: {  	[sflag:s13] =	ssyncset.done $0x0  }
0x5d: {  	[sflag:s13] =	ssyncadd.s32 $0xFFFFEC00  }
0x5e: {  	_ =	swait.ge [sflag:s18], $0x1400  }
0x5f: {  	s24 =	sadd.s32 $0x1, s24;
	[sflag:s18] =	ssyncset.done $0x0  }
0x60: {  	p0 =	sne.s32 s24, s11;
	[sflag:s18] =	ssyncadd.s32 $0xFFFFEC00  }
.Ltmp1:
0x61: {  	[bflag:$0x0] =	sbarrier.arrive $0xFFFF;
	(pc) =	sbr.rel @p0 .LBB2_1-.Ltmp1, $4  }
0x62: {  	[hbm:s10], [sflag:s6] =	dma.local [spmem:s12], $0x1390  }
0x63: {  	_ =	swait.ge [sflag:s13], $0x1390  }
0x64: {  	[sflag:s13] =	ssyncset.done $0x0  }
0x65: {  	[sflag:s13] =	ssyncadd.s32 $0xFFFFEC70  }
0x66: {  	_ =	sfence.sel $0x180000  }
0x67: {  	[bflag:$0x0] =	sbarrier.arrive $0xFFFF  }
0x68: {  	p0 =	sne.s32 s0, $0x0;
	_ =	strace $0x9000004A  }
0x69: {  	s0 =	sadd.s32 @!p0 $0x100000, s1;
	[bflag:$0x2] =	sbarrier.arrive $0xFFFF  }
0x6a: {  	[sflag:s0] =	ssyncadd.tile.s32 @!p0 $0x1;
	_ =	shalt  }
.Lfunc_end2:
_tile_overlayer_lowered:
.L_overlay_start_2:
0x6b: {  	(tag) =	ssettag $0x2  }
0x6c: {  	s0 =	rddreg [dreg:$0x0];
	s2 =	stileid.u32  }
0x6d: {  	s1 =	rddreg [dreg:$0x1];
	p0 =	sne.s32 s2, $0x0  }
0x6e: {  	s3 =	rddreg [dreg:$0x2];
	[bflag:$0x3] =	sbarrier.arrive $0xFFFF;
	s2 =	simm.s32 @!p0 $0x1C03  }
0x6f: {  	[timem:s3], [sflag:s2] =	dma.local @!p0 [hbm:s0], s1  }
0x70: {  	s0 =	simm.s32 @!p0 $0x3  }
0x71: {  	_ =	swait.ge @!p0 [sflag:s0], s1  }
0x72: {  	s1 =	ssub.s32 @!p0 $0x0, s1;
	[sflag:s0] =	ssyncset.done @!p0 $0x0  }
0x73: {  	[sflag:s0] =	ssyncadd.s32 @!p0 s1  }
0x74: {  	[bflag:$0x3] =	sbarrier.arrive $0xFFFF  }
0x75: {  	_ =	shalt  }

// kernel: kernel.14.cloned.1.call-start
scs
__scs_entry_jumppad:
0x0: {  	(pc) =	sbr.rel $0x88, $3  }
0x1: {  	(tag) =	ssettag $0x0;
	lr =	simm.s32 $0x1  }
0x2: {  	[smem:$0x3F9B] =	sst lr;
	_ =	strace $0xD0000000  }
0x3: {  	_ = 	snop  }
0x4: {  	_ = 	snop  }
0x5: {  	_ = 	snop  }
0x6: {  	_ = 	snop  }
0x7: {  	_ = 	snop  }
__scs_overlays_trampoline_lowered:
0x8: {  	[smem:$0x3FAA] =	sst s0  }
0x9: {  	[smem:$0x3FAB] =	sst s1  }
0xa: {  	[smem:$0x3FAC] =	sst s2  }
0xb: {  	[smem:$0x3FAD] =	sst s3  }
0xc: {  	[smem:$0x3FAE] =	sst s4  }
0xd: {  	[smem:$0x3FAF] =	sst s5  }
0xe: {  	[smem:$0x3FB0] =	sst s6  }
0xf: {  	[smem:$0x3FB1] =	sst s7  }
0x10: {  	[smem:$0x3FB2] =	sst s8  }
0x11: {  	[smem:$0x3FB3] =	sst s9;
	s0 =	simm.s32 @!p0 $0x0  }
0x12: {  	s1 =	sld [smem:$0x3F99];
	s0 =	simm.s32 @p0 $0x1  }
0x13: {  	[smem:$0x3FB4] =	sst s0;
	s0 =	simm.s32 @!p1 $0x0  }
0x14: {  	s2 =	sld [smem:$0x3F98];
	s0 =	simm.s32 @p1 $0x1  }
0x15: {  	[smem:$0x3FB5] =	sst s0;
	s0 =	simm.s32 @!p2 $0x0  }
0x16: {  	s3 =	sld [smem:$0x3FDB];
	s0 =	simm.s32 @p2 $0x1  }
0x17: {  	s4 =	simm.s32 $0x1BF5;
	[smem:$0x3FB7] =	sst s0  }
0x18: {  	s0 =	sld [smem:$0x3F9A];
	_ =	swait.ge [sflag:s4], $0x0  }
0x19: {  	s7 =	sld [smem:$0x3F9B]  }
0x1a: {  	s8 =	sadd.s32 $0xFFFFE003, lr  }
0x1b: {  	s9 =	sadd.s32 $0xFFFFFEF7, lr;
	s5 =	simm.s32 $0xFFFFFFFF;
	p2 =	slt.u32 s8, $0xFFFFF086  }
0x1c: {  	p1 =	slt.u32 s9, $0xF7A;
	s5 =	simm.s32 @!p2 $0x0  }
0x1d: {  	s5 =	simm.s32 @p1 $0x1;
	p0 =	seq.s32 s7, s2  }
0x1e: {  	s7 =	smul.u32 @!p0 $0xF7A, s2;
	p2 =	seq.s32 @!p0 s5, $0x0  }
0x1f: {  	s9 =	smul.u32 $0xF7A, s1;
	s8 =	simm.s32 @!p0 $0x1BF5;
	p2 =	por !p2, p0  }
0x20: {  	[sflag:s8] =	ssyncset.s32 @!p0 $0xFFFFF086;
	s6 =	sadd.s32 @!p0 s3, s7;
	s7 =	simm.s32 @!p0 $0x108  }
0x21: {  	s3 =	sadd.s32 s3, s9;
	s6 =	sadd.s32 @!p0 $0x88, s6;
	s7 =	simm.s32 @p2 $0x1082  }
0x22: {  	[simem:s7], [sflag:s8] =	dma.local @!p0 [hbm:s6], $0xF7A  }
0x23: {  	s9 =	sor.u32 $0xD0000000, s2;
	s6 =	simm.s32 $0x108;
	_ =	swait.ge @!p0 [sflag:s8], $0x0  }
0x24: {  	s3 =	sadd.s32 $0x88, s3;
	s6 =	simm.s32 @!p1 $0x1082;
	[sflag:s4] =	ssyncset.s32 $0xFFFFF086  }
0x25: {  	[simem:s6], [sflag:s4] =	dma.local [hbm:s3], $0xF7A  }
0x26: {  	[smem:$0x3F9B] =	sst s1;
	(tag) =	ssettag s2;
	_ =	strace s9  }
0x27: {  	s1 =	sld [smem:$0x3FAB]  }
0x28: {  	s2 =	sld [smem:$0x3FAC]  }
0x29: {  	s4 =	sld [smem:$0x3FAE]  }
0x2a: {  	p0 =	seq.s32 s5, $0x0;
	s5 =	sld [smem:$0x3FAF]  }
0x2b: {  	s6 =	sld [smem:$0x3FB0]  }
0x2c: {  	s7 =	sld [smem:$0x3FB1]  }
0x2d: {  	s3 =	simm.s32 $0x108;
	s8 =	sld [smem:$0x3FB2]  }
0x2e: {  	s3 =	simm.s32 @!p0 $0x1082;
	s9 =	sld [smem:$0x3FB3]  }
0x2f: {  	lr =	sadd.s32 s0, s3;
	s0 =	sld [smem:$0x3FAA]  }
0x30: {  	s3 =	sld [smem:$0x3FAD]  }
0x31: {  	[smem:$0x3FB6] =	sst s10  }
0x32: {  	s10 =	sld [smem:$0x3FB4];
	_ =	sdelay $0x3  }
0x33: {  	p0 =	seq.s32 s10, $0x1;
	s10 =	sld [smem:$0x3FB6];
	_ =	sdelay $0x3  }
0x34: {  	[smem:$0x3FB6] =	sst s10  }
0x35: {  	s10 =	sld [smem:$0x3FB5];
	_ =	sdelay $0x3  }
0x36: {  	p1 =	seq.s32 s10, $0x1;
	s10 =	sld [smem:$0x3FB6];
	_ =	sdelay $0x3  }
0x37: {  	[smem:$0x3FB6] =	sst s10  }
0x38: {  	s10 =	sld [smem:$0x3FB7]  }
0x39: {  	_ = 	snop;
	(pc) =	sbr.ind lr, $3  }
0x3a: {  	_ = 	snop  }
0x3b: {  	_ = 	snop  }
0x3c: {  	p2 =	seq.s32 s10, $0x1;
	s10 =	sld [smem:$0x3FB6]  }
0x3d: {  	_ =	shalt  }
0x3e: {  	_ =	shalt  }
0x3f: {  	_ =	shalt  }
0x40: {  	_ =	shalt  }
0x41: {  	_ =	shalt  }
0x42: {  	_ =	shalt  }
0x43: {  	_ =	shalt  }
0x44: {  	_ =	shalt  }
0x45: {  	_ =	shalt  }
0x46: {  	_ =	shalt  }
0x47: {  	_ =	shalt  }
0x48: {  	_ =	shalt  }
0x49: {  	_ =	shalt  }
0x4a: {  	_ =	shalt  }
0x4b: {  	_ =	shalt  }
0x4c: {  	_ =	shalt  }
0x4d: {  	_ =	shalt  }
0x4e: {  	_ =	shalt  }
0x4f: {  	_ =	shalt  }
0x50: {  	_ =	shalt  }
0x51: {  	_ =	shalt  }
0x52: {  	_ =	shalt  }
0x53: {  	_ =	shalt  }
0x54: {  	_ =	shalt  }
0x55: {  	_ =	shalt  }
0x56: {  	_ =	shalt  }
0x57: {  	_ =	shalt  }
0x58: {  	_ =	shalt  }
0x59: {  	_ =	shalt  }
0x5a: {  	_ =	shalt  }
0x5b: {  	_ =	shalt  }
0x5c: {  	_ =	shalt  }
0x5d: {  	_ =	shalt  }
0x5e: {  	_ =	shalt  }
0x5f: {  	_ =	shalt  }
0x60: {  	_ =	shalt  }
0x61: {  	_ =	shalt  }
0x62: {  	_ =	shalt  }
0x63: {  	_ =	shalt  }
0x64: {  	_ =	shalt  }
0x65: {  	_ =	shalt  }
0x66: {  	_ =	shalt  }
0x67: {  	_ =	shalt  }
0x68: {  	_ =	shalt  }
0x69: {  	_ =	shalt  }
0x6a: {  	_ =	shalt  }
0x6b: {  	_ =	shalt  }
0x6c: {  	_ =	shalt  }
0x6d: {  	_ =	shalt  }
0x6e: {  	_ =	shalt  }
0x6f: {  	_ =	shalt  }
0x70: {  	_ =	shalt  }
0x71: {  	_ =	shalt  }
0x72: {  	_ =	shalt  }
0x73: {  	_ =	shalt  }
0x74: {  	_ =	shalt  }
0x75: {  	_ =	shalt  }
0x76: {  	_ =	shalt  }
0x77: {  	_ =	shalt  }
0x78: {  	_ =	shalt  }
0x79: {  	_ =	shalt  }
0x7a: {  	_ =	shalt  }
0x7b: {  	_ =	shalt  }
0x7c: {  	_ =	shalt  }
0x7d: {  	_ =	shalt  }
0x7e: {  	_ =	shalt  }
0x7f: {  	_ =	shalt  }
0x80: {  	_ =	shalt  }
0x81: {  	_ =	shalt  }
0x82: {  	_ =	shalt  }
0x83: {  	_ =	shalt  }
0x84: {  	_ =	shalt  }
0x85: {  	_ =	shalt  }
0x86: {  	_ =	shalt  }
0x87: {  	_ =	shalt  }
.Lfunc_end0:
.L_simem_size_0:
called_computation.2_lowered:
.L_overlay_start_0:
0x88: {  	s2 =	sld [smem:$0x3FD9]  }
0x89: {  	s3 =	sld [smem:$0x3FFE];
	_ =	sdelay $0x1  }
0x8a: {  	s1 =	srdreg.scid  }
0x8b: {  	s0 =	sand.u32 $0x1, s1  }
0x8c: {  	s17 =	sshll.u32 s0, $0xA;
	s2 =	sadd.s32 s3, s2  }
0x8d: {  	s2 =	sadd.s32 s2, s17  }
0x8e: {  	[smem:$0x3FC2] =	sst s2  }
0x8f: {  	_ = 	snop  }
0x90: {  	s2 =	sld [smem:$0x3FD0];
	(tm) =	ssettm $0x1  }
0x91: {  	s18 =	sld [smem:$0x3FFB];
	_ =	sdelay $0x3  }
0x92: {  	_ =	strace s18  }
0x93: {  	s3 =	sld [smem:$0x3FFC];
	_ =	sdelay $0x3  }
0x94: {  	_ =	strace s3  }
0x95: {  	s3 =	sld [smem:$0x3FFD];
	_ =	sdelay $0x3  }
0x96: {  	_ =	strace s3  }
0x97: {  	_ =	strace $0x8FFFFFFF  }
0x98: {  	s19 =	sld [smem:$0x3FDB];
	_ =	sdelay $0x1  }
0x99: {  	s4 =	simm.s32 $_scs_section_size  }
0x9a: {  	s5 =	simm.s32 $_size__tile_overlayer_lowered;
	s6 =	simm.s32 $_tile_overlayer_lowered  }
0x9b: {  	s22 =	simm.s32 $0x1BFF;
	s21 =	sshll.u32 s6, $0x1;
	s3 =	sadd.s32 s4, s19  }
0x9c: {  	s7 =	simm.s32 $0x0;
	s20 =	sshll.u32 s5, $0x1;
	s5 =	sadd.s32 s21, s3  }
0x9d: {  	[timem:s7], [sflag:s22] =	dma.local [hbm:s5], s20  }
0x9e: {  	_ =	swait.ge [sflag:s22], s20  }
0x9f: {  	s4 =	ssub.s32 $0x0, s20;
	[sflag:s22] =	ssyncset.done $0x0  }
0xa0: {  	[sflag:s22] =	ssyncadd.s32 s4;
	_ =	sdelay $0x1  }
0xa1: {  	s23 =	simm.s32 $0x1B8B  }
0xa2: {  	_ =	swait.ge [sflag:s23], $0x1  }
0xa3: {  	[sflag:s23] =	ssyncset.done $0x0  }
0xa4: {  	s25 =	simm.s32 $0x1B8E;
	s24 =	sld [smem:$0x3FFE];
	[sflag:s23] =	ssyncadd.s32 $0xFFFFFFFF  }
0xa5: {  	s26 =	simm.s32 $execute0_lowered;
	[smem:$0x3FD2] =	sst s25  }
0xa6: {  	s5 =	sshll.u32 s26, $0x1;
	_ =	strace $0x8000004C;
	[dreg:$0x1] =	wrdreg $0xFFFFFFFF  }
0xa7: {  	s28 =	simm.s32 $_size_execute0_lowered;
	s3 =	sadd.s32 s3, s5;
	[dreg:$0x0] =	wrdreg $0x0  }
0xa8: {  	s5 =	sshll.u32 s28, $0x1;
	[dreg:$0x2] =	wrdreg s3  }
0xa9: {  	[dreg:$0x3] =	wrdreg s5  }
0xaa: {  	[dreg:$0x4] =	wrdreg $0xC0  }
0xab: {  	_ =	task [dreg:s7], $0x5FFFF  }
0xac: {  	[dreg:$0x1] =	wrdreg $0xFFFFFFFF  }
0xad: {  	[dreg:$0x0] =	wrdreg $0x60  }
0xae: {  	[dreg:$0x2] =	wrdreg s24  }
0xaf: {  	[dreg:$0x3] =	wrdreg s2  }
0xb0: {  	[dreg:$0x4] =	wrdreg $0xFE800  }
0xb1: {  	[dreg:$0x5] =	wrdreg $0xB0400  }
0xb2: {  	[dreg:$0x6] =	wrdreg $0x9  }
0xb3: {  	_ =	task.clear_ibuf [dreg:s7], $0x7FFFF;
	_ =	strace $0x9000004C  }
0xb4: {  	s29 =	simm.s32 $0x9;
	_ =	strace $0x8000004E  }
0xb5: {  	_ =	swait.ge [sflag:s29], $0x1  }
0xb6: {  	[sflag:s29] =	ssyncadd.s32 $0xFFFFFFFF  }
0xb7: {  	_ =	strace $0x9000004E  }
0xb8: {  	_ =	sfence  }
0xb9: {  	s30 =	sld [smem:$0x0];
	_ =	sdelay $0x2  }
0xba: {  	s31 =	sshll.u32 s1, $0xD;
	s1 =	sshrl.u32 s1, $0x2  }
0xbb: {  	s3 =	sand.u32 $0x4000, s31;
	s1 =	sadd.s32 s1, s30  }
0xbc: {  	s0 =	sor.u32 s3, s0;
	s1 =	sshll.u32 s1, $0x11  }
0xbd: {  	s0 =	sor.u32 s1, s0  }
0xbe: {  	s0 =	sadd.s32 $0x8F2B, s0  }
0xbf: {  	[sflag:s0] =	ssyncadd.remote.s32 $0x1  }
0xc0: {  	_ =	sfence.sel $0xFFFF  }
0xc1: {  	[dreg:$0x0] =	wrdreg $0xFFFFFFFF;
	(pc) =	sbr.abs _section_cstart, $3  }
0xc2: {  	[dreg:$0x1] =	wrdreg $0xFFFFFFFF  }
0xc3: {  	_ =	task.clear_ibuf [dreg:s7], $0x2FFFF;
	_ =	strace $0x9FFFFFFF  }
0xc4: {  	(tm) =	ssettm $0x7FFFFFFF  }
0xc5: {  	_ =	shalt  }
tec
execute0_lowered:
.L_overlay_start_1:
0x0: {  	(tag) =	ssettag $0x1  }
0x1: {  	s5 =	rddreg [dreg:$0x0]  }
0x2: {  	s10 =	rddreg [dreg:$0x1]  }
0x3: {  	s1 =	srdreg.scid;
	s2 =	rddreg [dreg:$0x2]  }
0x4: {  	s0 =	stileid.u32;
	s3 =	rddreg [dreg:$0x3];
	s4 =	simm.s32 $0x0  }
0x5: {  	s16 =	simm.s32 $0x50;
	s17 =	simm.s32 $0x9C40;
	s18 =	simm.s32 $0x1  }
0x6: {  	s19 =	simm.s32 $0xA640;
	s20 =	simm.s32 $0x2;
	s21 =	simm.s32 $0x4DD0  }
0x7: {  	s22 =	simm.s32 $0x9BA0;
	s23 =	simm.s32 $0x9BF0;
	s24 =	simm.s32 $0x0  }
0x8: {  	s6 =	sand.u32 $0x1, s1;
	s8 =	smul.u32 $0x4E40, s0;
	s1 =	rddreg [dreg:$0x4]  }
0x9: {  	[smem:$0x7FF] =	sst s4;
	s9 =	smul.u32 $0x9C4, s0;
	s30 =	sshll.u32 s0, $0x6  }
0xa: {  	s7 =	smul.u32 $0x50000, s6;
	_ =	strace $0x8000004D;
	s12 =	ssub.s32 $0x2, s6  }
0xb: {  	s13 =	smul.u32 $0x4E400, s6;
	s6 =	sor.u32 $0x1C03, s30;
	s11 =	sshrl.u32 s8, $0x3  }
0xc: {  	s9 =	sadd.s32 s9, s5;
	s29 =	sshrl.u32 s12, $0x1;
	s14 =	sadd.s32 s8, s2  }
0xd: {  	s15 =	sadd.s32 s8, s3;
	s7 =	sadd.s32 s8, s7;
	s31 =	sadd.s32 s8, s13  }
0xe: {  	s8 =	sadd.s32 $0x2200, s9;
	s9 =	sadd.s32 $0xC000, s9;
	s7 =	sshrl.u32 s7, $0x3  }
0xf: {  	s13 =	simm.s32 $0x3;
	s7 =	sadd.s32 s7, s5;
	s5 =	sadd.s32 s11, s5  }
0x10: {  	s11 =	ssub.s32 s12, s29;
	s12 =	sshrl.u32 s31, $0x3;
	s5 =	sadd.s32 $0x29E00, s5  }
0x11: {  	s7 =	sadd.s32 $0x15E00, s7;
	s10 =	sadd.s32 s10, s12;
	s11 =	smax.u32 s11, $0x1  }
0x12: {  	s12 =	sshrl.u32 s14, $0x3;
	s14 =	sshrl.u32 s15, $0x3;
	s15 =	simm.s32 $0x4E20  }
.LBB2_1:
0x13: {  	[spmem:s12], [sflag:s6] =	dma.local [hbm:s5], $0x9C8  }
0x14: {  	_ =	swait.ge [sflag:s13], $0x9C8  }
0x15: {  	[sflag:s13] =	ssyncset.done $0x0  }
0x16: {  	[sflag:s13] =	ssyncadd.s32 $0xFFFFF638  }
0x17: {  	[spmem:s14], [sflag:s6] =	dma.local [hbm:s7], $0x9C8  }
0x18: {  	_ =	swait.ge [sflag:s13], $0x9C8  }
0x19: {  	[sflag:s13] =	ssyncset.done $0x0  }
0x1a: {  	[sflag:s13] =	ssyncadd.s32 $0xFFFFF638  }
0x1b: {  	[tilespmem:s4], [sflag:$0x3] =	stream.linear.gather [hbm4b:s8+s4], $0x4E20, $0x38;
	[tilespmem:$0x14CC0] =	vst v63  }
0x1c: {  	_ =	swait.ge [sflag:s13], $0x4E20  }
0x1d: {  	[sflag:s13] =	ssyncset.done $0x0  }
0x1e: {  	[sflag:s13] =	ssyncadd.s32 $0xFFFFB1E0  }
0x1f: {  	[tilespmem:s15], [sflag:$0x3] =	stream.linear.gather [hbm4b:s9+s4], $0x4E20, $0x38;
	[tilespmem:$0x14CC0] =	vst v63  }
0x20: {  	_ =	swait.ge [sflag:s13], $0x4E20  }
0x21: {  	[sflag:s13] =	ssyncset.done $0x0  }
0x22: {  	[sflag:s13] =	ssyncadd.s32 $0xFFFFB1E0  }
0x23: {  	[bflag:$0x0] =	sbarrier.arrive $0xFFFF  }
0x24: {  	[tilespmem:s17], [sflag:$0x1] =	stream.indirect.gather [spmem:s3], $0x20, s4, s16, $0xb8;
	[tilespmem:$0x14CC0] =	vst v63  }
0x25: {  	_ =	swait.ge [sflag:s18], $0xA00  }
0x26: {  	[sflag:s18] =	ssyncset.done $0x0  }
0x27: {  	s25 =	simm.s32 $0x50;
	[sflag:s18] =	ssyncadd.s32 $0xFFFFF600  }
0x28: {  	[tilespmem:s19], [sflag:$0x2] =	stream.indirect.gather [spmem:s3], $0x20, s25, s16, $0xb8;
	[tilespmem:$0x14CC0] =	vst v63  }
0x29: {  	s29 =	simm.s32 $0x4E20  }
0x2a: {  	[spmem:s2] =	stream.indirect.scatter.add.f32 [tilespmem:s17], [sflag:$0x3], $0x20, s29, s16, $0xb8;
	[tilespmem:$0x14CC0] =	vst v63  }
0x2b: {  	_ =	swait.ge [sflag:s13], $0xA00  }
0x2c: {  	[sflag:s13] =	ssyncset.done $0x0  }
0x2d: {  	[sflag:s13] =	ssyncadd.s32 $0xFFFFF600  }
0x2e: {  	_ =	swait.ge [sflag:s20], $0xA00  }
0x2f: {  	[sflag:s20] =	ssyncset.done $0x0  }
0x30: {  	s30 =	simm.s32 $0xA0;
	[sflag:s20] =	ssyncadd.s32 $0xFFFFF600  }
0x31: {  	[tilespmem:s17], [sflag:$0x1] =	stream.indirect.gather [spmem:s3], $0x20, s30, s16, $0xb8;
	[tilespmem:$0x14CC0] =	vst v63  }
0x32: {  	s31 =	simm.s32 $0x4E70  }
0x33: {  	[spmem:s2] =	stream.indirect.scatter.add.f32 [tilespmem:s19], [sflag:$0x3], $0x20, s31, s16, $0xb8;
	[tilespmem:$0x14CC0] =	vst v63  }
0x34: {  	_ =	swait.ge [sflag:s13], $0xA00  }
0x35: {  	s25 =	simm.s32 $0x280;
	[sflag:s13] =	ssyncset.done $0x0  }
.LBB2_2:
0x36: {  	p0 =	sne.s32 s25, $0x13380  }
0x37: {  	[sflag:s13] =	ssyncadd.s32 $0xFFFFF600;
	s26 =	smov.u32 s25;
	s25 =	sadd.s32 $0x280, s25  }
0x38: {  	_ = 	snop  }
0x39: {  	_ =	swait.ge [sflag:s18], $0xA00  }
0x3a: {  	s26 =	sshra.s32 s26, $0x2;
	[sflag:s18] =	ssyncset.done $0x0  }
0x3b: {  	s28 =	sadd.s32 $0x50, s26;
	[sflag:s18] =	ssyncadd.s32 $0xFFFFF600  }
0x3c: {  	[tilespmem:s19], [sflag:$0x2] =	stream.indirect.gather [spmem:s3], $0x20, s28, s16, $0xb8;
	[tilespmem:$0x14CC0] =	vst v63  }
0x3d: {  	s28 =	sadd.s32 $0x4E20, s26  }
0x3e: {  	[spmem:s2] =	stream.indirect.scatter.add.f32 [tilespmem:s17], [sflag:$0x3], $0x20, s28, s16, $0xb8;
	[tilespmem:$0x14CC0] =	vst v63  }
0x3f: {  	_ =	swait.ge [sflag:s13], $0xA00  }
0x40: {  	[sflag:s13] =	ssyncset.done $0x0  }
0x41: {  	[sflag:s13] =	ssyncadd.s32 $0xFFFFF600  }
0x42: {  	_ =	swait.ge [sflag:s20], $0xA00  }
0x43: {  	[sflag:s20] =	ssyncset.done $0x0  }
0x44: {  	s28 =	sadd.s32 $0xA0, s26;
	[sflag:s20] =	ssyncadd.s32 $0xFFFFF600  }
0x45: {  	[tilespmem:s17], [sflag:$0x1] =	stream.indirect.gather [spmem:s3], $0x20, s28, s16, $0xb8;
	[tilespmem:$0x14CC0] =	vst v63  }
.Ltmp0:
0x46: {  	_ = 	snop;
	(pc) =	sbr.rel @p0 .LBB2_2-.Ltmp0, $4  }
0x47: {  	s26 =	sadd.s32 $0x4E70, s26  }
0x48: {  	[spmem:s2] =	stream.indirect.scatter.add.f32 [tilespmem:s19], [sflag:$0x3], $0x20, s26, s16, $0xb8;
	[tilespmem:$0x14CC0] =	vst v63  }
0x49: {  	_ =	swait.ge [sflag:s13], $0xA00  }
0x4a: {  	[sflag:s13] =	ssyncset.done $0x0  }
0x4b: {  	[sflag:s13] =	ssyncadd.s32 $0xFFFFF600  }
0x4c: {  	_ =	swait.ge [sflag:s18], $0xA00  }
0x4d: {  	[sflag:s18] =	ssyncset.done $0x0  }
0x4e: {  	[sflag:s18] =	ssyncadd.s32 $0xFFFFF600  }
0x4f: {  	[tilespmem:s19], [sflag:$0x2] =	stream.indirect.gather [spmem:s3], $0x20, s21, s16, $0xb8;
	[tilespmem:$0x14CC0] =	vst v63  }
0x50: {  	_ = 	snop  }
0x51: {  	[spmem:s2] =	stream.indirect.scatter.add.f32 [tilespmem:s17], [sflag:$0x3], $0x20, s22, s16, $0xb8;
	[tilespmem:$0x14CC0] =	vst v63  }
0x52: {  	_ =	swait.ge [sflag:s13], $0xA00  }
0x53: {  	[sflag:s13] =	ssyncset.done $0x0  }
0x54: {  	[sflag:s13] =	ssyncadd.s32 $0xFFFFF600  }
0x55: {  	_ =	swait.ge [sflag:s20], $0xA00  }
0x56: {  	[sflag:s20] =	ssyncset.done $0x0  }
0x57: {  	[sflag:s20] =	ssyncadd.s32 $0xFFFFF600  }
0x58: {  	[tilespmem:s17], [sflag:$0x1] =	stream.indirect.gather [spmem:s3], $0x20, s21, s16, $0xb8;
	[tilespmem:$0x14CC0] =	vst v63  }
0x59: {  	_ = 	snop  }
0x5a: {  	[spmem:s2] =	stream.indirect.scatter.add.f32 [tilespmem:s19], [sflag:$0x3], $0x20, s23, s16, $0xb8;
	[tilespmem:$0x14CC0] =	vst v63  }
0x5b: {  	_ =	swait.ge [sflag:s13], $0xA00  }
0x5c: {  	[sflag:s13] =	ssyncset.done $0x0  }
0x5d: {  	[sflag:s13] =	ssyncadd.s32 $0xFFFFF600  }
0x5e: {  	_ =	swait.ge [sflag:s18], $0xA00  }
0x5f: {  	s24 =	sadd.s32 $0x1, s24;
	[sflag:s18] =	ssyncset.done $0x0  }
0x60: {  	p0 =	sne.s32 s24, s11;
	[sflag:s18] =	ssyncadd.s32 $0xFFFFF600  }
.Ltmp1:
0x61: {  	[bflag:$0x0] =	sbarrier.arrive $0xFFFF;
	(pc) =	sbr.rel @p0 .LBB2_1-.Ltmp1, $4  }
0x62: {  	[hbm:s10], [sflag:s6] =	dma.local [spmem:s12], $0x9C8  }
0x63: {  	_ =	swait.ge [sflag:s13], $0x9C8  }
0x64: {  	[sflag:s13] =	ssyncset.done $0x0  }
0x65: {  	[sflag:s13] =	ssyncadd.s32 $0xFFFFF638  }
0x66: {  	_ =	sfence.sel $0x180000  }
0x67: {  	[bflag:$0x0] =	sbarrier.arrive $0xFFFF  }
0x68: {  	p0 =	sne.s32 s0, $0x0;
	_ =	strace $0x9000004D  }
0x69: {  	s0 =	sadd.s32 @!p0 $0x100000, s1;
	[bflag:$0x2] =	sbarrier.arrive $0xFFFF  }
0x6a: {  	[sflag:s0] =	ssyncadd.tile.s32 @!p0 $0x1;
	_ =	shalt  }
.Lfunc_end2:
_tile_overlayer_lowered:
.L_overlay_start_2:
0x6b: {  	(tag) =	ssettag $0x2  }
0x6c: {  	s0 =	rddreg [dreg:$0x0];
	s2 =	stileid.u32  }
0x6d: {  	s1 =	rddreg [dreg:$0x1];
	p0 =	sne.s32 s2, $0x0  }
0x6e: {  	s3 =	rddreg [dreg:$0x2];
	[bflag:$0x3] =	sbarrier.arrive $0xFFFF;
	s2 =	simm.s32 @!p0 $0x1C03  }
0x6f: {  	[timem:s3], [sflag:s2] =	dma.local @!p0 [hbm:s0], s1  }
0x70: {  	s0 =	simm.s32 @!p0 $0x3  }
0x71: {  	_ =	swait.ge @!p0 [sflag:s0], s1  }
0x72: {  	s1 =	ssub.s32 @!p0 $0x0, s1;
	[sflag:s0] =	ssyncset.done @!p0 $0x0  }
0x73: {  	[sflag:s0] =	ssyncadd.s32 @!p0 s1  }
0x74: {  	[bflag:$0x3] =	sbarrier.arrive $0xFFFF  }
0x75: {  	_ =	shalt  }

// kernel: kernel.8.cloned.1.call-start
scs
__scs_entry_jumppad:
0x0: {  	(pc) =	sbr.rel $0x88, $3  }
0x1: {  	(tag) =	ssettag $0x0;
	lr =	simm.s32 $0x1  }
0x2: {  	[smem:$0x3F9B] =	sst lr;
	_ =	strace $0xD0000000  }
0x3: {  	_ = 	snop  }
0x4: {  	_ = 	snop  }
0x5: {  	_ = 	snop  }
0x6: {  	_ = 	snop  }
0x7: {  	_ = 	snop  }
__scs_overlays_trampoline_lowered:
0x8: {  	[smem:$0x3FAA] =	sst s0  }
0x9: {  	[smem:$0x3FAB] =	sst s1  }
0xa: {  	[smem:$0x3FAC] =	sst s2  }
0xb: {  	[smem:$0x3FAD] =	sst s3  }
0xc: {  	[smem:$0x3FAE] =	sst s4  }
0xd: {  	[smem:$0x3FAF] =	sst s5  }
0xe: {  	[smem:$0x3FB0] =	sst s6  }
0xf: {  	[smem:$0x3FB1] =	sst s7  }
0x10: {  	[smem:$0x3FB2] =	sst s8  }
0x11: {  	[smem:$0x3FB3] =	sst s9;
	s0 =	simm.s32 @!p0 $0x0  }
0x12: {  	s1 =	sld [smem:$0x3F99];
	s0 =	simm.s32 @p0 $0x1  }
0x13: {  	[smem:$0x3FB4] =	sst s0;
	s0 =	simm.s32 @!p1 $0x0  }
0x14: {  	s2 =	sld [smem:$0x3F98];
	s0 =	simm.s32 @p1 $0x1  }
0x15: {  	[smem:$0x3FB5] =	sst s0;
	s0 =	simm.s32 @!p2 $0x0  }
0x16: {  	s3 =	sld [smem:$0x3FDB];
	s0 =	simm.s32 @p2 $0x1  }
0x17: {  	s4 =	simm.s32 $0x1BF5;
	[smem:$0x3FB7] =	sst s0  }
0x18: {  	s0 =	sld [smem:$0x3F9A];
	_ =	swait.ge [sflag:s4], $0x0  }
0x19: {  	s7 =	sld [smem:$0x3F9B]  }
0x1a: {  	s8 =	sadd.s32 $0xFFFFE003, lr  }
0x1b: {  	s9 =	sadd.s32 $0xFFFFFEF7, lr;
	s5 =	simm.s32 $0xFFFFFFFF;
	p2 =	slt.u32 s8, $0xFFFFF086  }
0x1c: {  	p1 =	slt.u32 s9, $0xF7A;
	s5 =	simm.s32 @!p2 $0x0  }
0x1d: {  	s5 =	simm.s32 @p1 $0x1;
	p0 =	seq.s32 s7, s2  }
0x1e: {  	s7 =	smul.u32 @!p0 $0xF7A, s2;
	p2 =	seq.s32 @!p0 s5, $0x0  }
0x1f: {  	s9 =	smul.u32 $0xF7A, s1;
	s8 =	simm.s32 @!p0 $0x1BF5;
	p2 =	por !p2, p0  }
0x20: {  	[sflag:s8] =	ssyncset.s32 @!p0 $0xFFFFF086;
	s6 =	sadd.s32 @!p0 s3, s7;
	s7 =	simm.s32 @!p0 $0x108  }
0x21: {  	s3 =	sadd.s32 s3, s9;
	s6 =	sadd.s32 @!p0 $0x88, s6;
	s7 =	simm.s32 @p2 $0x1082  }
0x22: {  	[simem:s7], [sflag:s8] =	dma.local @!p0 [hbm:s6], $0xF7A  }
0x23: {  	s9 =	sor.u32 $0xD0000000, s2;
	s6 =	simm.s32 $0x108;
	_ =	swait.ge @!p0 [sflag:s8], $0x0  }
0x24: {  	s3 =	sadd.s32 $0x88, s3;
	s6 =	simm.s32 @!p1 $0x1082;
	[sflag:s4] =	ssyncset.s32 $0xFFFFF086  }
0x25: {  	[simem:s6], [sflag:s4] =	dma.local [hbm:s3], $0xF7A  }
0x26: {  	[smem:$0x3F9B] =	sst s1;
	(tag) =	ssettag s2;
	_ =	strace s9  }
0x27: {  	s1 =	sld [smem:$0x3FAB]  }
0x28: {  	s2 =	sld [smem:$0x3FAC]  }
0x29: {  	s4 =	sld [smem:$0x3FAE]  }
0x2a: {  	p0 =	seq.s32 s5, $0x0;
	s5 =	sld [smem:$0x3FAF]  }
0x2b: {  	s6 =	sld [smem:$0x3FB0]  }
0x2c: {  	s7 =	sld [smem:$0x3FB1]  }
0x2d: {  	s3 =	simm.s32 $0x108;
	s8 =	sld [smem:$0x3FB2]  }
0x2e: {  	s3 =	simm.s32 @!p0 $0x1082;
	s9 =	sld [smem:$0x3FB3]  }
0x2f: {  	lr =	sadd.s32 s0, s3;
	s0 =	sld [smem:$0x3FAA]  }
0x30: {  	s3 =	sld [smem:$0x3FAD]  }
0x31: {  	[smem:$0x3FB6] =	sst s10  }
0x32: {  	s10 =	sld [smem:$0x3FB4];
	_ =	sdelay $0x3  }
0x33: {  	p0 =	seq.s32 s10, $0x1;
	s10 =	sld [smem:$0x3FB6];
	_ =	sdelay $0x3  }
0x34: {  	[smem:$0x3FB6] =	sst s10  }
0x35: {  	s10 =	sld [smem:$0x3FB5];
	_ =	sdelay $0x3  }
0x36: {  	p1 =	seq.s32 s10, $0x1;
	s10 =	sld [smem:$0x3FB6];
	_ =	sdelay $0x3  }
0x37: {  	[smem:$0x3FB6] =	sst s10  }
0x38: {  	s10 =	sld [smem:$0x3FB7]  }
0x39: {  	_ = 	snop;
	(pc) =	sbr.ind lr, $3  }
0x3a: {  	_ = 	snop  }
0x3b: {  	_ = 	snop  }
0x3c: {  	p2 =	seq.s32 s10, $0x1;
	s10 =	sld [smem:$0x3FB6]  }
0x3d: {  	_ =	shalt  }
0x3e: {  	_ =	shalt  }
0x3f: {  	_ =	shalt  }
0x40: {  	_ =	shalt  }
0x41: {  	_ =	shalt  }
0x42: {  	_ =	shalt  }
0x43: {  	_ =	shalt  }
0x44: {  	_ =	shalt  }
0x45: {  	_ =	shalt  }
0x46: {  	_ =	shalt  }
0x47: {  	_ =	shalt  }
0x48: {  	_ =	shalt  }
0x49: {  	_ =	shalt  }
0x4a: {  	_ =	shalt  }
0x4b: {  	_ =	shalt  }
0x4c: {  	_ =	shalt  }
0x4d: {  	_ =	shalt  }
0x4e: {  	_ =	shalt  }
0x4f: {  	_ =	shalt  }
0x50: {  	_ =	shalt  }
0x51: {  	_ =	shalt  }
0x52: {  	_ =	shalt  }
0x53: {  	_ =	shalt  }
0x54: {  	_ =	shalt  }
0x55: {  	_ =	shalt  }
0x56: {  	_ =	shalt  }
0x57: {  	_ =	shalt  }
0x58: {  	_ =	shalt  }
0x59: {  	_ =	shalt  }
0x5a: {  	_ =	shalt  }
0x5b: {  	_ =	shalt  }
0x5c: {  	_ =	shalt  }
0x5d: {  	_ =	shalt  }
0x5e: {  	_ =	shalt  }
0x5f: {  	_ =	shalt  }
0x60: {  	_ =	shalt  }
0x61: {  	_ =	shalt  }
0x62: {  	_ =	shalt  }
0x63: {  	_ =	shalt  }
0x64: {  	_ =	shalt  }
0x65: {  	_ =	shalt  }
0x66: {  	_ =	shalt  }
0x67: {  	_ =	shalt  }
0x68: {  	_ =	shalt  }
0x69: {  	_ =	shalt  }
0x6a: {  	_ =	shalt  }
0x6b: {  	_ =	shalt  }
0x6c: {  	_ =	shalt  }
0x6d: {  	_ =	shalt  }
0x6e: {  	_ =	shalt  }
0x6f: {  	_ =	shalt  }
0x70: {  	_ =	shalt  }
0x71: {  	_ =	shalt  }
0x72: {  	_ =	shalt  }
0x73: {  	_ =	shalt  }
0x74: {  	_ =	shalt  }
0x75: {  	_ =	shalt  }
0x76: {  	_ =	shalt  }
0x77: {  	_ =	shalt  }
0x78: {  	_ =	shalt  }
0x79: {  	_ =	shalt  }
0x7a: {  	_ =	shalt  }
0x7b: {  	_ =	shalt  }
0x7c: {  	_ =	shalt  }
0x7d: {  	_ =	shalt  }
0x7e: {  	_ =	shalt  }
0x7f: {  	_ =	shalt  }
0x80: {  	_ =	shalt  }
0x81: {  	_ =	shalt  }
0x82: {  	_ =	shalt  }
0x83: {  	_ =	shalt  }
0x84: {  	_ =	shalt  }
0x85: {  	_ =	shalt  }
0x86: {  	_ =	shalt  }
0x87: {  	_ =	shalt  }
.Lfunc_end0:
.L_simem_size_0:
called_computation_lowered:
.L_overlay_start_0:
0x88: {  	s2 =	sld [smem:$0x3FD9]  }
0x89: {  	s3 =	sld [smem:$0x3FFE];
	_ =	sdelay $0x1  }
0x8a: {  	s1 =	srdreg.scid  }
0x8b: {  	s0 =	sand.u32 $0x1, s1  }
0x8c: {  	s17 =	sshll.u32 s0, $0xA;
	s2 =	sadd.s32 s3, s2  }
0x8d: {  	s2 =	sadd.s32 s2, s17  }
0x8e: {  	[smem:$0x3FC2] =	sst s2  }
0x8f: {  	_ = 	snop  }
0x90: {  	s2 =	sld [smem:$0x3FD0];
	(tm) =	ssettm $0x1  }
0x91: {  	s18 =	sld [smem:$0x3FFB];
	_ =	sdelay $0x3  }
0x92: {  	_ =	strace s18  }
0x93: {  	s3 =	sld [smem:$0x3FFC];
	_ =	sdelay $0x3  }
0x94: {  	_ =	strace s3  }
0x95: {  	s3 =	sld [smem:$0x3FFD];
	_ =	sdelay $0x3  }
0x96: {  	_ =	strace s3  }
0x97: {  	_ =	strace $0x8FFFFFFF  }
0x98: {  	s19 =	sld [smem:$0x3FDB];
	_ =	sdelay $0x1  }
0x99: {  	s4 =	simm.s32 $_scs_section_size  }
0x9a: {  	s5 =	simm.s32 $_size__tile_overlayer_lowered;
	s6 =	simm.s32 $_tile_overlayer_lowered  }
0x9b: {  	s22 =	simm.s32 $0x1BFF;
	s21 =	sshll.u32 s6, $0x1;
	s3 =	sadd.s32 s4, s19  }
0x9c: {  	s7 =	simm.s32 $0x0;
	s20 =	sshll.u32 s5, $0x1;
	s5 =	sadd.s32 s21, s3  }
0x9d: {  	[timem:s7], [sflag:s22] =	dma.local [hbm:s5], s20  }
0x9e: {  	_ =	swait.ge [sflag:s22], s20  }
0x9f: {  	s4 =	ssub.s32 $0x0, s20;
	[sflag:s22] =	ssyncset.done $0x0  }
0xa0: {  	[sflag:s22] =	ssyncadd.s32 s4;
	_ =	sdelay $0x1  }
0xa1: {  	s23 =	simm.s32 $0x1B8B  }
0xa2: {  	_ =	swait.ge [sflag:s23], $0x1  }
0xa3: {  	[sflag:s23] =	ssyncset.done $0x0  }
0xa4: {  	s25 =	simm.s32 $0x1B8E;
	s24 =	sld [smem:$0x3FFE];
	[sflag:s23] =	ssyncadd.s32 $0xFFFFFFFF  }
0xa5: {  	s26 =	simm.s32 $execute0_lowered;
	[smem:$0x3FD2] =	sst s25  }
0xa6: {  	s5 =	sshll.u32 s26, $0x1;
	_ =	strace $0x80000046;
	[dreg:$0x1] =	wrdreg $0xFFFFFFFF  }
0xa7: {  	s28 =	simm.s32 $_size_execute0_lowered;
	s3 =	sadd.s32 s3, s5;
	[dreg:$0x0] =	wrdreg $0x0  }
0xa8: {  	s5 =	sshll.u32 s28, $0x1;
	[dreg:$0x2] =	wrdreg s3  }
0xa9: {  	[dreg:$0x3] =	wrdreg s5  }
0xaa: {  	[dreg:$0x4] =	wrdreg $0xC0  }
0xab: {  	_ =	task [dreg:s7], $0x5FFFF  }
0xac: {  	[dreg:$0x1] =	wrdreg $0xFFFFFFFF  }
0xad: {  	[dreg:$0x0] =	wrdreg $0x60  }
0xae: {  	[dreg:$0x2] =	wrdreg s24  }
0xaf: {  	[dreg:$0x3] =	wrdreg s2  }
0xb0: {  	[dreg:$0x4] =	wrdreg $0x9  }
0xb1: {  	_ =	task.clear_ibuf [dreg:s7], $0x5FFFF;
	_ =	strace $0x90000046  }
0xb2: {  	s29 =	simm.s32 $0x9;
	_ =	strace $0x80000048  }
0xb3: {  	_ =	swait.ge [sflag:s29], $0x1  }
0xb4: {  	[sflag:s29] =	ssyncadd.s32 $0xFFFFFFFF  }
0xb5: {  	_ =	strace $0x90000048  }
0xb6: {  	_ =	sfence  }
0xb7: {  	s30 =	sld [smem:$0x0];
	_ =	sdelay $0x2  }
0xb8: {  	s31 =	sshll.u32 s1, $0xD;
	s1 =	sshrl.u32 s1, $0x2  }
0xb9: {  	s3 =	sand.u32 $0x4000, s31;
	s1 =	sadd.s32 s1, s30  }
0xba: {  	s0 =	sor.u32 s3, s0;
	s1 =	sshll.u32 s1, $0x11  }
0xbb: {  	s0 =	sor.u32 s1, s0  }
0xbc: {  	s0 =	sadd.s32 $0x8F2B, s0  }
0xbd: {  	[sflag:s0] =	ssyncadd.remote.s32 $0x1  }
0xbe: {  	_ =	sfence.sel $0xFFFF  }
0xbf: {  	[dreg:$0x0] =	wrdreg $0xFFFFFFFF;
	(pc) =	sbr.abs _section_cstart, $3  }
0xc0: {  	[dreg:$0x1] =	wrdreg $0xFFFFFFFF  }
0xc1: {  	_ =	task.clear_ibuf [dreg:s7], $0x2FFFF;
	_ =	strace $0x9FFFFFFF  }
0xc2: {  	(tm) =	ssettm $0x7FFFFFFF  }
0xc3: {  	_ =	shalt  }
tec
execute0_lowered:
.L_overlay_start_1:
0x0: {  	(tag) =	ssettag $0x1  }
0x1: {  	s3 =	rddreg [dreg:$0x0]  }
0x2: {  	s1 =	srdreg.scid;
	s0 =	stileid.u32  }
0x3: {  	s4 =	rddreg [dreg:$0x1];
	s5 =	sand.u32 $0x1, s1;
	s2 =	sshll.u32 s0, $0x1  }
0x4: {  	s1 =	rddreg [dreg:$0x2];
	s6 =	sor.u32 s5, s2  }
0x5: {  	s2 =	simm.s32 $0x0;
	s5 =	ssub.s32 $0x2, s5;
	s7 =	smul.u32 $0x4E2, s6  }
0x6: {  	[smem:$0x7FF] =	sst s2;
	s8 =	sshrl.u32 s5, $0x1;
	s6 =	smul.u32 $0x500, s6  }
0x7: {  	_ =	strace $0x80000047;
	s5 =	ssub.s32 s5, s8;
	s8 =	simm.s32 $0x0  }
0x8: {  	s3 =	sadd.s32 s7, s3;
	s4 =	sadd.s32 s4, s6;
	s5 =	smax.u32 s5, $0x1  }
0x9: {  	v0 =	vimm.f32 $0.0e+00;
	v1 =	vimm.f32 $1.000000000e+00;
	s6 =	simm.s32 $0x1;
	s7 =	simm.s32 $0x2710;
	s3 =	sadd.s32 $0xC000, s3  }
.LBB2_1:
0xa: {  	[tilespmem:s2], [sflag:$0x1] =	stream.linear.gather [hbm4b:s3+s2], $0x2710, $0x38;
	[tilespmem:$0x4F10] =	vst v63  }
0xb: {  	_ =	swait.ge [sflag:s6], $0x2710  }
0xc: {  	[sflag:s6] =	ssyncset.done $0x0  }
0xd: {  	s9 =	simm.s32 $0x0;
	[sflag:s6] =	ssyncadd.s32 $0xFFFFD8F0  }
.LBB2_2:
0xe: {  	p0 =	sne.s32 s9, $0x9FC0  }
.Ltmp0:
0xf: {  	_ = 	snop;
	(pc) =	sbr.rel @p0 .LBB2_2-.Ltmp0, $3  }
0x10: {  	_ =	sdelay $0x1  }
0x11: {  	s10 =	sshra.s32 s9, $0x2  }
0x12: {  	s9 =	sadd.s32 $0x40, s9;
	[tilespmem:s10+$0x2710] =	vst v0  }
0x13: {  	s9 =	simm.s32 $0x0  }
.LBB2_4:
0x14: {  	s10 =	sshra.s32 s9, $0x2  }
0x15: {  	v2 =	vld [tilespmem:s10+$0x0];
	_ =	sdelay $0x7  }
0x16: {  	[tilespmem:v2+s7+$0x0] =	vst.idx.add.f32.msk $0xffff, v1  }
0x17: {  	v2 =	vld [tilespmem:s10+$0x10];
	_ =	sdelay $0x7  }
0x18: {  	[tilespmem:v2+s7+$0x0] =	vst.idx.add.f32.msk $0xffff, v1  }
0x19: {  	v2 =	vld [tilespmem:s10+$0x20];
	_ =	sdelay $0x7  }
0x1a: {  	[tilespmem:v2+s7+$0x0] =	vst.idx.add.f32.msk $0xffff, v1  }
0x1b: {  	v2 =	vld [tilespmem:s10+$0x30];
	_ =	sdelay $0x7  }
0x1c: {  	[tilespmem:v2+s7+$0x0] =	vst.idx.add.f32.msk $0xffff, v1  }
0x1d: {  	v2 =	vld [tilespmem:s10+$0x40];
	_ =	sdelay $0x2  }
0x1e: {  	p0 =	sne.s32 s9, $0x9B00  }
.Ltmp1:
0x1f: {  	_ = 	snop;
	(pc) =	sbr.rel @p0 .LBB2_4-.Ltmp1, $2  }
0x20: {  	_ =	sdelay $0x2  }
0x21: {  	s9 =	sadd.s32 $0x140, s9;
	[tilespmem:v2+s7+$0x0] =	vst.idx.add.f32.msk $0xffff, v1  }
0x22: {  	s8 =	sadd.s32 $0x1, s8  }
0x23: {  	p0 =	sne.s32 s8, s5  }
.Ltmp2:
0x24: {  	_ = 	snop;
	(pc) =	sbr.rel @p0 .LBB2_1-.Ltmp2, $4  }
0x25: {  	[hbm4b:s4+s2] =	stream.linear.scatter [tilespmem:s7], [sflag:$0x1], $0x2800, $0x38;
	[tilespmem:$0x4F10] =	vst v63  }
0x26: {  	_ =	swait.ge [sflag:s6], $0x2800  }
0x27: {  	[sflag:s6] =	ssyncset.done $0x0  }
0x28: {  	[sflag:s6] =	ssyncadd.s32 $0xFFFFD800  }
0x29: {  	_ =	sfence.sel $0x180000  }
0x2a: {  	[bflag:$0x0] =	sbarrier.arrive $0xFFFF  }
0x2b: {  	p0 =	sne.s32 s0, $0x0;
	_ =	strace $0x90000047  }
0x2c: {  	s0 =	sadd.s32 @!p0 $0x100000, s1;
	[bflag:$0x2] =	sbarrier.arrive $0xFFFF  }
0x2d: {  	[sflag:s0] =	ssyncadd.tile.s32 @!p0 $0x1;
	_ =	shalt  }
.Lfunc_end2:
_tile_overlayer_lowered:
.L_overlay_start_2:
0x2e: {  	(tag) =	ssettag $0x2  }
0x2f: {  	s0 =	rddreg [dreg:$0x0];
	s2 =	stileid.u32  }
0x30: {  	s1 =	rddreg [dreg:$0x1];
	p0 =	sne.s32 s2, $0x0  }
0x31: {  	s3 =	rddreg [dreg:$0x2];
	[bflag:$0x3] =	sbarrier.arrive $0xFFFF;
	s2 =	simm.s32 @!p0 $0x1C01  }
0x32: {  	[timem:s3], [sflag:s2] =	dma.local @!p0 [hbm:s0], s1  }
0x33: {  	s0 =	simm.s32 @!p0 $0x1  }
0x34: {  	_ =	swait.ge @!p0 [sflag:s0], s1  }
0x35: {  	s1 =	ssub.s32 @!p0 $0x0, s1;
	[sflag:s0] =	ssyncset.done @!p0 $0x0  }
0x36: {  	[sflag:s0] =	ssyncadd.s32 @!p0 s1  }
0x37: {  	[bflag:$0x3] =	sbarrier.arrive $0xFFFF  }
0x38: {  	_ =	shalt  }

</sc_bundles>
